<compile_context>
chip_gen: v7x
topology: tpu7x:2x2x1
jax: 0.10.2.dev20260603
libtpu: 0.0.44.dev20260713+nightly
codegen_flags: <defaults>
</compile_context>

<pallas_src>
import functools

import jax
import jax.numpy as jnp
from jax import lax
from jax.experimental import pallas as pl
from jax.experimental.pallas import tpu as pltpu
from jax.experimental.pallas import tpu_sc as plsc

N = 10000
D = 128
E = 320000
NC = 2
NS = 16
NP = 10112
RPT = NP // NS
CH = 128
RE = 125
TCH = 2560
NC0 = 80
NC1 = TCH // NS - NC0
IBLK = 8

_BO = 128



def _mm_body(x_ref, w_ref, b_ref, o_ref):
    acc = jnp.dot(w_ref[...], x_ref[...], preferred_element_type=jnp.float32)
    o_ref[...] = acc + b_ref[...]


def _matmul(xT, W, b2):
    grid = (NP // _BO,)
    return pl.pallas_call(
        _mm_body,
        grid=grid,
        in_specs=[
            pl.BlockSpec((N, D), lambda i: (0, 0)),
            pl.BlockSpec((_BO, N), lambda i: (i, 0)),
            pl.BlockSpec((_BO, 1), lambda i: (i, 0)),
        ],
        out_specs=pl.BlockSpec((_BO, D), lambda i: (i, 0)),
        out_shape=jax.ShapeDtypeStruct((NP, D), jnp.float32),
    )(xT, W, b2)


def _sc_scatter(src_p, dst_p, nf_pad, zeros):
    mesh = plsc.VectorSubcoreMesh(core_axis_name="c", subcore_axis_name="s")

    @functools.partial(
        pl.kernel,
        mesh=mesh,
        out_type=jax.ShapeDtypeStruct((NC, NP, D), jnp.float32),
        scratch_types=[
            pltpu.VMEM((IBLK, CH), jnp.int32),
            pltpu.VMEM((IBLK, CH), jnp.int32),
            pltpu.VMEM((CH, D), jnp.float32),
            pltpu.VMEM((CH, D), jnp.float32),
            pltpu.VMEM_SHARED((NP, D), jnp.float32),
            pltpu.SemaphoreType.DMA,
            pltpu.SemaphoreType.DMA,
        ],
    )
    def body(src_hbm, dst_hbm, nf_hbm, z_hbm, out_hbm, sidx, didx, rows0,
             rows1, agg_sh, sem0, sem1):
        c = lax.axis_index("c")
        s = lax.axis_index("s")
        slab = pl.ds(s * RPT, RPT)

        @pl.when(c == 0)
        def _():
            pltpu.sync_copy(nf_hbm.at[slab], agg_sh.at[slab])

        @pl.when(c == 1)
        def _():
            pltpu.sync_copy(z_hbm.at[slab], agg_sh.at[slab])

        plsc.subcore_barrier()

        nblk = jnp.where(c == 0, NC0 // IBLK, NC1 // IBLK)
        cbase = pl.multiple_of(
            jnp.where(c == 0, s * NC0, NS * NC0 + s * NC1), IBLK)

        bufs = ((rows0, sem0), (rows1, sem1))

        def block(ib, carry):
            row = pl.multiple_of(cbase + ib * IBLK, IBLK)
            pltpu.sync_copy(src_hbm.at[pl.ds(row, IBLK)], sidx)
            pltpu.sync_copy(dst_hbm.at[pl.ds(row, IBLK)], didx)
            for b in range(2):
                pltpu.make_async_copy(nf_hbm.at[sidx.at[b]], bufs[b][0],
                                      bufs[b][1]).start()

            def step(j, c2):
                for bi in range(2):
                    i = j * 2 + bi
                    rows, sem = bufs[bi]
                    pltpu.make_async_copy(nf_hbm.at[sidx.at[i]], rows,
                                          sem).wait()
                    pltpu.sync_copy(rows, agg_sh.at[didx.at[i]], add=True)

                    @pl.when(i + 2 < IBLK)
                    def _():
                        pltpu.make_async_copy(nf_hbm.at[sidx.at[i + 2]], rows,
                                              sem).start()
                return c2

            lax.fori_loop(0, IBLK // 2, step, 0)
            return carry

        lax.fori_loop(0, nblk, block, 0)
        plsc.subcore_barrier()
        pltpu.sync_copy(agg_sh.at[slab], out_hbm.at[c, slab])

    return body(src_p, dst_p, nf_pad, zeros)


def _combine_body(p0_ref, p1_ref, scale_ref, o_ref):
    a = p0_ref[0] + p1_ref[0]
    o_ref[...] = (jnp.transpose(a) * scale_ref[0, 0])[None]


def _combine(p, scale):
    return pl.pallas_call(
        _combine_body,
        grid=(1,),
        in_specs=[
            pl.BlockSpec((1, N, D), lambda i: (0, 0, 0)),
            pl.BlockSpec((1, N, D), lambda i: (1, 0, 0)),
            pl.BlockSpec(memory_space=pltpu.SMEM),
        ],
        out_specs=pl.BlockSpec((1, D, N), lambda i: (0, 0, 0)),
        out_shape=jax.ShapeDtypeStruct((1, D, N), jnp.float32),
    )(p, p, scale)


def _pad_edges(src, dst):
    src_r = src.reshape(TCH, RE)
    dst_r = dst.reshape(TCH, RE)
    ci = jnp.arange(TCH, dtype=jnp.int32)[:, None]
    k = jnp.arange(CH - RE, dtype=jnp.int32)[None, :]
    pad_src = jnp.zeros((TCH, CH - RE), jnp.int32)
    pad_dst = N + (ci * (CH - RE) + k) % (NP - N)
    return (jnp.concatenate([src_r, pad_src], axis=1),
            jnp.concatenate([dst_r, pad_dst.astype(jnp.int32)], axis=1))


def kernel(node_features, edge_mapping, batch_lens, W, b):
    x = node_features[0]
    xT = x.T
    b2 = b.reshape(N, 1)
    nf_pad = _matmul(xT, W, b2)

    src_p, dst_p = _pad_edges(edge_mapping[1], edge_mapping[0])
    zeros = jnp.zeros((NP, D), jnp.float32)

    p = _sc_scatter(src_p, dst_p, nf_pad, zeros)

    scale = (1.0 / batch_lens).astype(jnp.float32).reshape(1, 1)
    return _combine(p, scale)

# --- scband reference (transcript-rebuilt; emitter-appended) ---
"""Pipeline reference for scband-res-gcn-82360292868394 (READ-ONLY COPY).

The authoritative reference and input builder live on the scoring server;
editing this copy changes nothing except your own understanding.
"""

import jax, jax.numpy as jnp
import numpy as np

N_NODES = 10000
D_FEAT = 128
N_EDGES = 320000


def setup_inputs(seed: int = 0) -> dict:
    key = jax.random.key(seed)
    k1, k2, k3, k4 = jax.random.split(key, 4)
    node_features = jax.random.normal(k1, (1, D_FEAT, N_NODES), dtype=jnp.float32)
    edge_mapping = jax.random.randint(k2, (2, N_EDGES), 0, N_NODES, dtype=jnp.int32)
    # Linear(in_d=N_NODES, out_d=N_NODES): torch convention W[out, in], bias[out]
    bound = 1.0 / np.sqrt(N_NODES)
    W = jax.random.uniform(k3, (N_NODES, N_NODES), dtype=jnp.float32, minval=-bound, maxval=bound)
    b = jax.random.uniform(k4, (N_NODES,), dtype=jnp.float32, minval=-bound, maxval=bound)
    batch_lens = 32
    return {"node_features": node_features, "edge_mapping": edge_mapping, "batch_lens": batch_lens, "W": W, "b": b}


def reference(node_features, edge_mapping, batch_lens, W, b):
    # fc: applied over last dim (node axis, size in_d -> out_d)
    h = jnp.matmul(node_features, W.T) + b  # [1, D_FEAT, out_d]
    residual = h
    # transpose(2,1).squeeze(0): [1, D, N] -> [N, D]
    nf = jnp.transpose(h, (0, 2, 1))[0]  # [N, D]
    # gather source node rows
    node_idxs = jnp.take(nf, edge_mapping[1], axis=0)  # [E, D]
    # scatter-add into destination rows
    agg = jnp.zeros_like(nf).at[edge_mapping[0]].add(node_idxs)  # [N, D]
    new_node_features = agg.T  # [D, N]
    out = (new_node_features + residual) / batch_lens  # broadcasts to [1, D, N]
    return out

if __name__ == "__main__":
    import jax
    _d = setup_inputs()
    print(jax.jit(kernel)(*tuple(_d.values())))

</pallas_src>

<mosaic_0001>
#map = affine_map<(d0, d1) -> (0, 0)>
#map1 = affine_map<(d0, d1) -> (0, 0, 0)>
module attributes {stable_mosaic.version = 14 : i64} {
  func.func @body(%arg0: i32, %arg1: i32, %arg2: memref<2560x128xi32, #tpu.memory_space<hbm>>, %arg3: memref<2560x128xi32, #tpu.memory_space<hbm>>, %arg4: memref<10112x128xf32, #tpu.memory_space<hbm>>, %arg5: memref<10112x128xf32, #tpu.memory_space<hbm>>, %arg6: memref<2x10112x128xf32, #tpu.memory_space<hbm>>, %arg7: memref<8x128xi32, #tpu.memory_space<vmem>>, %arg8: memref<8x128xi32, #tpu.memory_space<vmem>>, %arg9: memref<128x128xf32, #tpu.memory_space<vmem>>, %arg10: memref<128x128xf32, #tpu.memory_space<vmem>>, %arg11: memref<10112x128xf32, #tpu.memory_space<vmem_shared>>, %arg12: memref<!tpu.dma_semaphore, #tpu.memory_space<semaphore_mem>>, %arg13: memref<!tpu.dma_semaphore, #tpu.memory_space<semaphore_mem>>) attributes {dimension_semantics = [#tpu.dimension_semantics<core_parallel>, #tpu.dimension_semantics<subcore_parallel>], iteration_bounds = array<i64: 2, 16>, scalar_prefetch = 0 : i64, scratch_operands = 7 : i64, tpu.core_type = #tpu.core_type<sc_vector_subcore>, window_params = [{transform_indices = #map}, {transform_indices = #map}, {transform_indices = #map}, {transform_indices = #map}, {transform_indices = #map1}]} {
    %mul3A = arith.constant 632 : i32
    %mul3A_0 = arith.muli %arg1, %mul3A : i32
    %eq3A = arith.constant 0 : i32
    %eq3A_1 = arith.cmpi eq, %arg0, %eq3A : i32
    %convert_element_type3A = arith.extui %eq3A_1 : i1 to i32
    %cond3A = arith.constant 0 : i32
    %cond3A_2 = arith.cmpi ne, %convert_element_type3A, %cond3A : i32
    scf.if %cond3A_2 {
      "tpu.region"() ({
        %run_scoped3A = tpu.sem_alloc : memref<!tpu.dma_semaphore, #tpu.memory_space<semaphore_mem>>
        %dma_start3A = arith.constant 0 : i32
        %dma_start3A_29 = tpu.memref_slice %arg11[%mul3A_0, %dma_start3A] : memref<10112x128xf32, #tpu.memory_space<vmem_shared>> -> memref<632x128xf32, #tpu.memory_space<vmem_shared>>
        %dma_start3A_30 = arith.constant 0 : i32
        %dma_start3A_31 = tpu.memref_slice %arg4[%mul3A_0, %dma_start3A_30] : memref<10112x128xf32, #tpu.memory_space<hbm>> -> memref<632x128xf32, #tpu.memory_space<hbm>>
        tpu.enqueue_dma source(%dma_start3A_31 : memref<632x128xf32, #tpu.memory_space<hbm>>) target(%dma_start3A_29 : memref<632x128xf32, #tpu.memory_space<vmem_shared>>) target_semaphore(%run_scoped3A : memref<!tpu.dma_semaphore, #tpu.memory_space<semaphore_mem>>)
        %dma_wait3A = arith.constant 0 : i32
        %dma_wait3A_32 = tpu.memref_slice %arg11[%mul3A_0, %dma_wait3A] : memref<10112x128xf32, #tpu.memory_space<vmem_shared>> -> memref<632x128xf32, #tpu.memory_space<vmem_shared>>
        %dma_wait3A_33 = arith.constant 0 : i32
        %dma_wait3A_34 = tpu.memref_slice %arg4[%mul3A_0, %dma_wait3A_33] : memref<10112x128xf32, #tpu.memory_space<hbm>> -> memref<632x128xf32, #tpu.memory_space<hbm>>
        tpu.wait_dma2 semaphore(%run_scoped3A : memref<!tpu.dma_semaphore, #tpu.memory_space<semaphore_mem>>) src(%dma_wait3A_34 : memref<632x128xf32, #tpu.memory_space<hbm>>) dst(%dma_wait3A_32 : memref<632x128xf32, #tpu.memory_space<vmem_shared>>)
        tpu.yield
      }) : () -> ()
    } else {
    }
    %eq3A_3 = arith.constant 1 : i32
    %eq3A_4 = arith.cmpi eq, %arg0, %eq3A_3 : i32
    %convert_element_type3A_5 = arith.extui %eq3A_4 : i1 to i32
    %cond3A_6 = arith.constant 0 : i32
    %cond3A_7 = arith.cmpi ne, %convert_element_type3A_5, %cond3A_6 : i32
    scf.if %cond3A_7 {
      "tpu.region"() ({
        %run_scoped3A = tpu.sem_alloc : memref<!tpu.dma_semaphore, #tpu.memory_space<semaphore_mem>>
        %dma_start3A = arith.constant 0 : i32
        %dma_start3A_29 = tpu.memref_slice %arg11[%mul3A_0, %dma_start3A] : memref<10112x128xf32, #tpu.memory_space<vmem_shared>> -> memref<632x128xf32, #tpu.memory_space<vmem_shared>>
        %dma_start3A_30 = arith.constant 0 : i32
        %dma_start3A_31 = tpu.memref_slice %arg5[%mul3A_0, %dma_start3A_30] : memref<10112x128xf32, #tpu.memory_space<hbm>> -> memref<632x128xf32, #tpu.memory_space<hbm>>
        tpu.enqueue_dma source(%dma_start3A_31 : memref<632x128xf32, #tpu.memory_space<hbm>>) target(%dma_start3A_29 : memref<632x128xf32, #tpu.memory_space<vmem_shared>>) target_semaphore(%run_scoped3A : memref<!tpu.dma_semaphore, #tpu.memory_space<semaphore_mem>>)
        %dma_wait3A = arith.constant 0 : i32
        %dma_wait3A_32 = tpu.memref_slice %arg11[%mul3A_0, %dma_wait3A] : memref<10112x128xf32, #tpu.memory_space<vmem_shared>> -> memref<632x128xf32, #tpu.memory_space<vmem_shared>>
        %dma_wait3A_33 = arith.constant 0 : i32
        %dma_wait3A_34 = tpu.memref_slice %arg5[%mul3A_0, %dma_wait3A_33] : memref<10112x128xf32, #tpu.memory_space<hbm>> -> memref<632x128xf32, #tpu.memory_space<hbm>>
        tpu.wait_dma2 semaphore(%run_scoped3A : memref<!tpu.dma_semaphore, #tpu.memory_space<semaphore_mem>>) src(%dma_wait3A_34 : memref<632x128xf32, #tpu.memory_space<hbm>>) dst(%dma_wait3A_32 : memref<632x128xf32, #tpu.memory_space<vmem_shared>>)
        tpu.yield
      }) : () -> ()
    } else {
    }
    %barrier3A = arith.constant 0 : index
    tpu.barrier barrier_id(%barrier3A)
    %eq3A_8 = arith.constant 0 : i32
    %eq3A_9 = arith.cmpi eq, %arg0, %eq3A_8 : i32
    %jit3A = arith.constant 10 : i32
    %jit3A_10 = arith.constant 10 : i32
    %select_n3A = arith.select %eq3A_9, %jit3A, %jit3A_10 : i32
    %eq3A_11 = arith.constant 0 : i32
    %eq3A_12 = arith.cmpi eq, %arg0, %eq3A_11 : i32
    %mul3A_13 = arith.constant 80 : i32
    %mul3A_14 = arith.muli %arg1, %mul3A_13 : i32
    %mul3A_15 = arith.constant 80 : i32
    %mul3A_16 = arith.muli %arg1, %mul3A_15 : i32
    %add3A = arith.constant 1280 : i32
    %add3A_17 = arith.addi %add3A, %mul3A_16 : i32
    %select_n3A_18 = arith.select %eq3A_12, %mul3A_14, %add3A_17 : i32
    %multiple_of3A = tpu.assume_multiple %select_n3A_18, 8 : i32
    %while3A = arith.constant 0 : i32
    %while3A_19 = arith.constant 0 : i32
    %while3A_20 = arith.subi %select_n3A, %while3A_19 : i32
    %while3A_21 = arith.addi %while3A_19, %while3A_20 : i32
    %while3A_22 = arith.constant 1 : i32
    %while3A_23 = arith.divsi %while3A_20, %while3A_22 : i32
    %while3A_24 = arith.muli %while3A_23, %while3A_22 : i32
    %while3A_25 = arith.addi %while3A_19, %while3A_24 : i32
    %while3A_26 = arith.constant 1 : i32
    scf.for %while3A_29 = %while3A_19 to %while3A_25 step %while3A_26  : i32 {
      %mul3A_30 = arith.constant 8 : i32
      %mul3A_31 = arith.muli %while3A_29, %mul3A_30 : i32
      %add3A_32 = arith.addi %multiple_of3A, %mul3A_31 : i32
      %multiple_of3A_33 = tpu.assume_multiple %add3A_32, 8 : i32
      "tpu.region"() ({
        %run_scoped3A = tpu.sem_alloc : memref<!tpu.dma_semaphore, #tpu.memory_space<semaphore_mem>>
        %dma_start3A_52 = arith.constant 0 : i32
        %dma_start3A_53 = tpu.memref_slice %arg2[%multiple_of3A_33, %dma_start3A_52] : memref<2560x128xi32, #tpu.memory_space<hbm>> -> memref<8x128xi32, #tpu.memory_space<hbm>>
        %dma_start3A_54 = arith.constant 0 : i32
        %dma_start3A_55 = tpu.memref_slice %arg2[%multiple_of3A_33, %dma_start3A_54] : memref<2560x128xi32, #tpu.memory_space<hbm>> -> memref<8x128xi32, #tpu.memory_space<hbm>>
        tpu.enqueue_dma source(%dma_start3A_55 : memref<8x128xi32, #tpu.memory_space<hbm>>) target(%arg7 : memref<8x128xi32, #tpu.memory_space<vmem>>) target_semaphore(%run_scoped3A : memref<!tpu.dma_semaphore, #tpu.memory_space<semaphore_mem>>)
        %dma_wait3A = arith.constant 0 : i32
        %dma_wait3A_56 = tpu.memref_slice %arg2[%multiple_of3A_33, %dma_wait3A] : memref<2560x128xi32, #tpu.memory_space<hbm>> -> memref<8x128xi32, #tpu.memory_space<hbm>>
        %dma_wait3A_57 = arith.constant 0 : i32
        %dma_wait3A_58 = tpu.memref_slice %arg2[%multiple_of3A_33, %dma_wait3A_57] : memref<2560x128xi32, #tpu.memory_space<hbm>> -> memref<8x128xi32, #tpu.memory_space<hbm>>
        tpu.wait_dma2 semaphore(%run_scoped3A : memref<!tpu.dma_semaphore, #tpu.memory_space<semaphore_mem>>) src(%dma_wait3A_58 : memref<8x128xi32, #tpu.memory_space<hbm>>) dst(%arg7 : memref<8x128xi32, #tpu.memory_space<vmem>>)
        tpu.yield
      }) : () -> ()
      "tpu.region"() ({
        %run_scoped3A = tpu.sem_alloc : memref<!tpu.dma_semaphore, #tpu.memory_space<semaphore_mem>>
        %dma_start3A_52 = arith.constant 0 : i32
        %dma_start3A_53 = tpu.memref_slice %arg3[%multiple_of3A_33, %dma_start3A_52] : memref<2560x128xi32, #tpu.memory_space<hbm>> -> memref<8x128xi32, #tpu.memory_space<hbm>>
        %dma_start3A_54 = arith.constant 0 : i32
        %dma_start3A_55 = tpu.memref_slice %arg3[%multiple_of3A_33, %dma_start3A_54] : memref<2560x128xi32, #tpu.memory_space<hbm>> -> memref<8x128xi32, #tpu.memory_space<hbm>>
        tpu.enqueue_dma source(%dma_start3A_55 : memref<8x128xi32, #tpu.memory_space<hbm>>) target(%arg8 : memref<8x128xi32, #tpu.memory_space<vmem>>) target_semaphore(%run_scoped3A : memref<!tpu.dma_semaphore, #tpu.memory_space<semaphore_mem>>)
        %dma_wait3A = arith.constant 0 : i32
        %dma_wait3A_56 = tpu.memref_slice %arg3[%multiple_of3A_33, %dma_wait3A] : memref<2560x128xi32, #tpu.memory_space<hbm>> -> memref<8x128xi32, #tpu.memory_space<hbm>>
        %dma_wait3A_57 = arith.constant 0 : i32
        %dma_wait3A_58 = tpu.memref_slice %arg3[%multiple_of3A_33, %dma_wait3A_57] : memref<2560x128xi32, #tpu.memory_space<hbm>> -> memref<8x128xi32, #tpu.memory_space<hbm>>
        tpu.wait_dma2 semaphore(%run_scoped3A : memref<!tpu.dma_semaphore, #tpu.memory_space<semaphore_mem>>) src(%dma_wait3A_58 : memref<8x128xi32, #tpu.memory_space<hbm>>) dst(%arg8 : memref<8x128xi32, #tpu.memory_space<vmem>>)
        tpu.yield
      }) : () -> ()
      %dma_start3A = arith.constant 0 : i32
      %dma_start3A_34 = arith.constant 0 : i32
      %dma_start3A_35 = tpu.memref_slice %arg7[%dma_start3A, %dma_start3A_34] : memref<8x128xi32, #tpu.memory_space<vmem>> -> memref<1x128xi32, #tpu.memory_space<vmem>>
      %dma_start3A_36 = tpu.memref_squeeze %dma_start3A_35 : memref<1x128xi32, #tpu.memory_space<vmem>> -> memref<128xi32, #tpu.memory_space<vmem>>
      %dma_start3A_37 = arith.constant 0 : i32
      %dma_start3A_38 = arith.constant 0 : i32
      %dma_start3A_39 = tpu.memref_slice %arg4[%dma_start3A_37, %dma_start3A_38] : memref<10112x128xf32, #tpu.memory_space<hbm>> -> memref<10112x128xf32, #tpu.memory_space<hbm>>
      tpu.enqueue_indirect_dma source(%dma_start3A_39 : memref<10112x128xf32, #tpu.memory_space<hbm>>) target(%arg9 : memref<128x128xf32, #tpu.memory_space<vmem>>) offsets(%dma_start3A_36 : memref<128xi32, #tpu.memory_space<vmem>>) semaphore(%arg12 : memref<!tpu.dma_semaphore, #tpu.memory_space<semaphore_mem>>)
      %dma_start3A_40 = arith.constant 1 : i32
      %dma_start3A_41 = arith.constant 0 : i32
      %dma_start3A_42 = tpu.memref_slice %arg7[%dma_start3A_40, %dma_start3A_41] : memref<8x128xi32, #tpu.memory_space<vmem>> -> memref<1x128xi32, #tpu.memory_space<vmem>>
      %dma_start3A_43 = tpu.memref_squeeze %dma_start3A_42 : memref<1x128xi32, #tpu.memory_space<vmem>> -> memref<128xi32, #tpu.memory_space<vmem>>
      %dma_start3A_44 = arith.constant 0 : i32
      %dma_start3A_45 = arith.constant 0 : i32
      %dma_start3A_46 = tpu.memref_slice %arg4[%dma_start3A_44, %dma_start3A_45] : memref<10112x128xf32, #tpu.memory_space<hbm>> -> memref<10112x128xf32, #tpu.memory_space<hbm>>
      tpu.enqueue_indirect_dma source(%dma_start3A_46 : memref<10112x128xf32, #tpu.memory_space<hbm>>) target(%arg10 : memref<128x128xf32, #tpu.memory_space<vmem>>) offsets(%dma_start3A_43 : memref<128xi32, #tpu.memory_space<vmem>>) semaphore(%arg13 : memref<!tpu.dma_semaphore, #tpu.memory_space<semaphore_mem>>)
      %scan3A = arith.constant 0 : i32
      %scan3A_47 = arith.constant 0 : i32
      %scan3A_48 = arith.constant 4 : i32
      %scan3A_49 = arith.addi %scan3A_47, %scan3A_48 : i32
      %scan3A_50 = arith.constant 1 : i32
      scf.for %scan3A_52 = %scan3A_47 to %scan3A_49 step %scan3A_50  : i32 {
        %mul3A_53 = arith.constant 2 : i32
        %mul3A_54 = arith.muli %scan3A_52, %mul3A_53 : i32
        %add3A_55 = arith.constant 0 : i32
        %add3A_56 = arith.addi %mul3A_54, %add3A_55 : i32
        %dma_wait3A = arith.constant 0 : i32
        %dma_wait3A_57 = tpu.memref_slice %arg7[%add3A_56, %dma_wait3A] : memref<8x128xi32, #tpu.memory_space<vmem>> -> memref<1x128xi32, #tpu.memory_space<vmem>>
        %dma_wait3A_58 = tpu.memref_squeeze %dma_wait3A_57 : memref<1x128xi32, #tpu.memory_space<vmem>> -> memref<128xi32, #tpu.memory_space<vmem>>
        %dma_wait3A_59 = arith.constant 0 : i32
        %dma_wait3A_60 = arith.constant 0 : i32
        %dma_wait3A_61 = tpu.memref_slice %arg4[%dma_wait3A_59, %dma_wait3A_60] : memref<10112x128xf32, #tpu.memory_space<hbm>> -> memref<10112x128xf32, #tpu.memory_space<hbm>>
        tpu.wait_indirect_dma semaphore(%arg12 : memref<!tpu.dma_semaphore, #tpu.memory_space<semaphore_mem>>) src(%dma_wait3A_61 : memref<10112x128xf32, #tpu.memory_space<hbm>>) dst(%arg9 : memref<128x128xf32, #tpu.memory_space<vmem>>)
        "tpu.region"() ({
          %run_scoped3A = tpu.sem_alloc : memref<!tpu.dma_semaphore, #tpu.memory_space<semaphore_mem>>
          %dma_start3A_85 = arith.constant 0 : i32
          %dma_start3A_86 = tpu.memref_slice %arg8[%add3A_56, %dma_start3A_85] : memref<8x128xi32, #tpu.memory_space<vmem>> -> memref<1x128xi32, #tpu.memory_space<vmem>>
          %dma_start3A_87 = tpu.memref_squeeze %dma_start3A_86 : memref<1x128xi32, #tpu.memory_space<vmem>> -> memref<128xi32, #tpu.memory_space<vmem>>
          %dma_start3A_88 = arith.constant 0 : i32
          %dma_start3A_89 = arith.constant 0 : i32
          %dma_start3A_90 = tpu.memref_slice %arg11[%dma_start3A_88, %dma_start3A_89] : memref<10112x128xf32, #tpu.memory_space<vmem_shared>> -> memref<10112x128xf32, #tpu.memory_space<vmem_shared>>
          tpu.enqueue_indirect_dma source(%arg9 : memref<128x128xf32, #tpu.memory_space<vmem>>) target(%dma_start3A_90 : memref<10112x128xf32, #tpu.memory_space<vmem_shared>>) offsets(%dma_start3A_87 : memref<128xi32, #tpu.memory_space<vmem>>) semaphore(%run_scoped3A : memref<!tpu.dma_semaphore, #tpu.memory_space<semaphore_mem>>) {add = true}
          %dma_wait3A_91 = arith.constant 0 : i32
          %dma_wait3A_92 = tpu.memref_slice %arg8[%add3A_56, %dma_wait3A_91] : memref<8x128xi32, #tpu.memory_space<vmem>> -> memref<1x128xi32, #tpu.memory_space<vmem>>
          %dma_wait3A_93 = tpu.memref_squeeze %dma_wait3A_92 : memref<1x128xi32, #tpu.memory_space<vmem>> -> memref<128xi32, #tpu.memory_space<vmem>>
          %dma_wait3A_94 = arith.constant 0 : i32
          %dma_wait3A_95 = arith.constant 0 : i32
          %dma_wait3A_96 = tpu.memref_slice %arg11[%dma_wait3A_94, %dma_wait3A_95] : memref<10112x128xf32, #tpu.memory_space<vmem_shared>> -> memref<10112x128xf32, #tpu.memory_space<vmem_shared>>
          tpu.wait_indirect_dma semaphore(%run_scoped3A : memref<!tpu.dma_semaphore, #tpu.memory_space<semaphore_mem>>) src(%arg9 : memref<128x128xf32, #tpu.memory_space<vmem>>) dst(%dma_wait3A_96 : memref<10112x128xf32, #tpu.memory_space<vmem_shared>>)
          tpu.yield
        }) : () -> ()
        %add3A_62 = arith.constant 2 : i32
        %add3A_63 = arith.addi %add3A_56, %add3A_62 : i32
        %lt3A = arith.constant 8 : i32
        %lt3A_64 = arith.cmpi slt, %add3A_63, %lt3A : i32
        %convert_element_type3A_65 = arith.extui %lt3A_64 : i1 to i32
        %cond3A_66 = arith.constant 0 : i32
        %cond3A_67 = arith.cmpi ne, %convert_element_type3A_65, %cond3A_66 : i32
        scf.if %cond3A_67 {
          %add3A_85 = arith.constant 2 : i32
          %add3A_86 = arith.addi %add3A_56, %add3A_85 : i32
          %dma_start3A_87 = arith.constant 0 : i32
          %dma_start3A_88 = tpu.memref_slice %arg7[%add3A_86, %dma_start3A_87] : memref<8x128xi32, #tpu.memory_space<vmem>> -> memref<1x128xi32, #tpu.memory_space<vmem>>
          %dma_start3A_89 = tpu.memref_squeeze %dma_start3A_88 : memref<1x128xi32, #tpu.memory_space<vmem>> -> memref<128xi32, #tpu.memory_space<vmem>>
          %dma_start3A_90 = arith.constant 0 : i32
          %dma_start3A_91 = arith.constant 0 : i32
          %dma_start3A_92 = tpu.memref_slice %arg4[%dma_start3A_90, %dma_start3A_91] : memref<10112x128xf32, #tpu.memory_space<hbm>> -> memref<10112x128xf32, #tpu.memory_space<hbm>>
          tpu.enqueue_indirect_dma source(%dma_start3A_92 : memref<10112x128xf32, #tpu.memory_space<hbm>>) target(%arg9 : memref<128x128xf32, #tpu.memory_space<vmem>>) offsets(%dma_start3A_89 : memref<128xi32, #tpu.memory_space<vmem>>) semaphore(%arg12 : memref<!tpu.dma_semaphore, #tpu.memory_space<semaphore_mem>>)
        } else {
        }
        %mul3A_68 = arith.constant 2 : i32
        %mul3A_69 = arith.muli %scan3A_52, %mul3A_68 : i32
        %add3A_70 = arith.constant 1 : i32
        %add3A_71 = arith.addi %mul3A_69, %add3A_70 : i32
        %dma_wait3A_72 = arith.constant 0 : i32
        %dma_wait3A_73 = tpu.memref_slice %arg7[%add3A_71, %dma_wait3A_72] : memref<8x128xi32, #tpu.memory_space<vmem>> -> memref<1x128xi32, #tpu.memory_space<vmem>>
        %dma_wait3A_74 = tpu.memref_squeeze %dma_wait3A_73 : memref<1x128xi32, #tpu.memory_space<vmem>> -> memref<128xi32, #tpu.memory_space<vmem>>
        %dma_wait3A_75 = arith.constant 0 : i32
        %dma_wait3A_76 = arith.constant 0 : i32
        %dma_wait3A_77 = tpu.memref_slice %arg4[%dma_wait3A_75, %dma_wait3A_76] : memref<10112x128xf32, #tpu.memory_space<hbm>> -> memref<10112x128xf32, #tpu.memory_space<hbm>>
        tpu.wait_indirect_dma semaphore(%arg13 : memref<!tpu.dma_semaphore, #tpu.memory_space<semaphore_mem>>) src(%dma_wait3A_77 : memref<10112x128xf32, #tpu.memory_space<hbm>>) dst(%arg10 : memref<128x128xf32, #tpu.memory_space<vmem>>)
        "tpu.region"() ({
          %run_scoped3A = tpu.sem_alloc : memref<!tpu.dma_semaphore, #tpu.memory_space<semaphore_mem>>
          %dma_start3A_85 = arith.constant 0 : i32
          %dma_start3A_86 = tpu.memref_slice %arg8[%add3A_71, %dma_start3A_85] : memref<8x128xi32, #tpu.memory_space<vmem>> -> memref<1x128xi32, #tpu.memory_space<vmem>>
          %dma_start3A_87 = tpu.memref_squeeze %dma_start3A_86 : memref<1x128xi32, #tpu.memory_space<vmem>> -> memref<128xi32, #tpu.memory_space<vmem>>
          %dma_start3A_88 = arith.constant 0 : i32
          %dma_start3A_89 = arith.constant 0 : i32
          %dma_start3A_90 = tpu.memref_slice %arg11[%dma_start3A_88, %dma_start3A_89] : memref<10112x128xf32, #tpu.memory_space<vmem_shared>> -> memref<10112x128xf32, #tpu.memory_space<vmem_shared>>
          tpu.enqueue_indirect_dma source(%arg10 : memref<128x128xf32, #tpu.memory_space<vmem>>) target(%dma_start3A_90 : memref<10112x128xf32, #tpu.memory_space<vmem_shared>>) offsets(%dma_start3A_87 : memref<128xi32, #tpu.memory_space<vmem>>) semaphore(%run_scoped3A : memref<!tpu.dma_semaphore, #tpu.memory_space<semaphore_mem>>) {add = true}
          %dma_wait3A_91 = arith.constant 0 : i32
          %dma_wait3A_92 = tpu.memref_slice %arg8[%add3A_71, %dma_wait3A_91] : memref<8x128xi32, #tpu.memory_space<vmem>> -> memref<1x128xi32, #tpu.memory_space<vmem>>
          %dma_wait3A_93 = tpu.memref_squeeze %dma_wait3A_92 : memref<1x128xi32, #tpu.memory_space<vmem>> -> memref<128xi32, #tpu.memory_space<vmem>>
          %dma_wait3A_94 = arith.constant 0 : i32
          %dma_wait3A_95 = arith.constant 0 : i32
          %dma_wait3A_96 = tpu.memref_slice %arg11[%dma_wait3A_94, %dma_wait3A_95] : memref<10112x128xf32, #tpu.memory_space<vmem_shared>> -> memref<10112x128xf32, #tpu.memory_space<vmem_shared>>
          tpu.wait_indirect_dma semaphore(%run_scoped3A : memref<!tpu.dma_semaphore, #tpu.memory_space<semaphore_mem>>) src(%arg10 : memref<128x128xf32, #tpu.memory_space<vmem>>) dst(%dma_wait3A_96 : memref<10112x128xf32, #tpu.memory_space<vmem_shared>>)
          tpu.yield
        }) : () -> ()
        %add3A_78 = arith.constant 2 : i32
        %add3A_79 = arith.addi %add3A_71, %add3A_78 : i32
        %lt3A_80 = arith.constant 8 : i32
        %lt3A_81 = arith.cmpi slt, %add3A_79, %lt3A_80 : i32
        %convert_element_type3A_82 = arith.extui %lt3A_81 : i1 to i32
        %cond3A_83 = arith.constant 0 : i32
        %cond3A_84 = arith.cmpi ne, %convert_element_type3A_82, %cond3A_83 : i32
        scf.if %cond3A_84 {
          %add3A_85 = arith.constant 2 : i32
          %add3A_86 = arith.addi %add3A_71, %add3A_85 : i32
          %dma_start3A_87 = arith.constant 0 : i32
          %dma_start3A_88 = tpu.memref_slice %arg7[%add3A_86, %dma_start3A_87] : memref<8x128xi32, #tpu.memory_space<vmem>> -> memref<1x128xi32, #tpu.memory_space<vmem>>
          %dma_start3A_89 = tpu.memref_squeeze %dma_start3A_88 : memref<1x128xi32, #tpu.memory_space<vmem>> -> memref<128xi32, #tpu.memory_space<vmem>>
          %dma_start3A_90 = arith.constant 0 : i32
          %dma_start3A_91 = arith.constant 0 : i32
          %dma_start3A_92 = tpu.memref_slice %arg4[%dma_start3A_90, %dma_start3A_91] : memref<10112x128xf32, #tpu.memory_space<hbm>> -> memref<10112x128xf32, #tpu.memory_space<hbm>>
          tpu.enqueue_indirect_dma source(%dma_start3A_92 : memref<10112x128xf32, #tpu.memory_space<hbm>>) target(%arg10 : memref<128x128xf32, #tpu.memory_space<vmem>>) offsets(%dma_start3A_89 : memref<128xi32, #tpu.memory_space<vmem>>) semaphore(%arg13 : memref<!tpu.dma_semaphore, #tpu.memory_space<semaphore_mem>>)
        } else {
        }
      }
      %scan3A_51 = arith.constant 4 : i32
    }
    %while3A_27 = arith.constant 1 : i32
    scf.for %while3A_29 = %while3A_25 to %while3A_21 step %while3A_27  : i32 {
      %mul3A_30 = arith.constant 8 : i32
      %mul3A_31 = arith.muli %while3A_29, %mul3A_30 : i32
      %add3A_32 = arith.addi %multiple_of3A, %mul3A_31 : i32
      %multiple_of3A_33 = tpu.assume_multiple %add3A_32, 8 : i32
      "tpu.region"() ({
        %run_scoped3A = tpu.sem_alloc : memref<!tpu.dma_semaphore, #tpu.memory_space<semaphore_mem>>
        %dma_start3A_52 = arith.constant 0 : i32
        %dma_start3A_53 = tpu.memref_slice %arg2[%multiple_of3A_33, %dma_start3A_52] : memref<2560x128xi32, #tpu.memory_space<hbm>> -> memref<8x128xi32, #tpu.memory_space<hbm>>
        %dma_start3A_54 = arith.constant 0 : i32
        %dma_start3A_55 = tpu.memref_slice %arg2[%multiple_of3A_33, %dma_start3A_54] : memref<2560x128xi32, #tpu.memory_space<hbm>> -> memref<8x128xi32, #tpu.memory_space<hbm>>
        tpu.enqueue_dma source(%dma_start3A_55 : memref<8x128xi32, #tpu.memory_space<hbm>>) target(%arg7 : memref<8x128xi32, #tpu.memory_space<vmem>>) target_semaphore(%run_scoped3A : memref<!tpu.dma_semaphore, #tpu.memory_space<semaphore_mem>>)
        %dma_wait3A = arith.constant 0 : i32
        %dma_wait3A_56 = tpu.memref_slice %arg2[%multiple_of3A_33, %dma_wait3A] : memref<2560x128xi32, #tpu.memory_space<hbm>> -> memref<8x128xi32, #tpu.memory_space<hbm>>
        %dma_wait3A_57 = arith.constant 0 : i32
        %dma_wait3A_58 = tpu.memref_slice %arg2[%multiple_of3A_33, %dma_wait3A_57] : memref<2560x128xi32, #tpu.memory_space<hbm>> -> memref<8x128xi32, #tpu.memory_space<hbm>>
        tpu.wait_dma2 semaphore(%run_scoped3A : memref<!tpu.dma_semaphore, #tpu.memory_space<semaphore_mem>>) src(%dma_wait3A_58 : memref<8x128xi32, #tpu.memory_space<hbm>>) dst(%arg7 : memref<8x128xi32, #tpu.memory_space<vmem>>)
        tpu.yield
      }) : () -> ()
      "tpu.region"() ({
        %run_scoped3A = tpu.sem_alloc : memref<!tpu.dma_semaphore, #tpu.memory_space<semaphore_mem>>
        %dma_start3A_52 = arith.constant 0 : i32
        %dma_start3A_53 = tpu.memref_slice %arg3[%multiple_of3A_33, %dma_start3A_52] : memref<2560x128xi32, #tpu.memory_space<hbm>> -> memref<8x128xi32, #tpu.memory_space<hbm>>
        %dma_start3A_54 = arith.constant 0 : i32
        %dma_start3A_55 = tpu.memref_slice %arg3[%multiple_of3A_33, %dma_start3A_54] : memref<2560x128xi32, #tpu.memory_space<hbm>> -> memref<8x128xi32, #tpu.memory_space<hbm>>
        tpu.enqueue_dma source(%dma_start3A_55 : memref<8x128xi32, #tpu.memory_space<hbm>>) target(%arg8 : memref<8x128xi32, #tpu.memory_space<vmem>>) target_semaphore(%run_scoped3A : memref<!tpu.dma_semaphore, #tpu.memory_space<semaphore_mem>>)
        %dma_wait3A = arith.constant 0 : i32
        %dma_wait3A_56 = tpu.memref_slice %arg3[%multiple_of3A_33, %dma_wait3A] : memref<2560x128xi32, #tpu.memory_space<hbm>> -> memref<8x128xi32, #tpu.memory_space<hbm>>
        %dma_wait3A_57 = arith.constant 0 : i32
        %dma_wait3A_58 = tpu.memref_slice %arg3[%multiple_of3A_33, %dma_wait3A_57] : memref<2560x128xi32, #tpu.memory_space<hbm>> -> memref<8x128xi32, #tpu.memory_space<hbm>>
        tpu.wait_dma2 semaphore(%run_scoped3A : memref<!tpu.dma_semaphore, #tpu.memory_space<semaphore_mem>>) src(%dma_wait3A_58 : memref<8x128xi32, #tpu.memory_space<hbm>>) dst(%arg8 : memref<8x128xi32, #tpu.memory_space<vmem>>)
        tpu.yield
      }) : () -> ()
      %dma_start3A = arith.constant 0 : i32
      %dma_start3A_34 = arith.constant 0 : i32
      %dma_start3A_35 = tpu.memref_slice %arg7[%dma_start3A, %dma_start3A_34] : memref<8x128xi32, #tpu.memory_space<vmem>> -> memref<1x128xi32, #tpu.memory_space<vmem>>
      %dma_start3A_36 = tpu.memref_squeeze %dma_start3A_35 : memref<1x128xi32, #tpu.memory_space<vmem>> -> memref<128xi32, #tpu.memory_space<vmem>>
      %dma_start3A_37 = arith.constant 0 : i32
      %dma_start3A_38 = arith.constant 0 : i32
      %dma_start3A_39 = tpu.memref_slice %arg4[%dma_start3A_37, %dma_start3A_38] : memref<10112x128xf32, #tpu.memory_space<hbm>> -> memref<10112x128xf32, #tpu.memory_space<hbm>>
      tpu.enqueue_indirect_dma source(%dma_start3A_39 : memref<10112x128xf32, #tpu.memory_space<hbm>>) target(%arg9 : memref<128x128xf32, #tpu.memory_space<vmem>>) offsets(%dma_start3A_36 : memref<128xi32, #tpu.memory_space<vmem>>) semaphore(%arg12 : memref<!tpu.dma_semaphore, #tpu.memory_space<semaphore_mem>>)
      %dma_start3A_40 = arith.constant 1 : i32
      %dma_start3A_41 = arith.constant 0 : i32
      %dma_start3A_42 = tpu.memref_slice %arg7[%dma_start3A_40, %dma_start3A_41] : memref<8x128xi32, #tpu.memory_space<vmem>> -> memref<1x128xi32, #tpu.memory_space<vmem>>
      %dma_start3A_43 = tpu.memref_squeeze %dma_start3A_42 : memref<1x128xi32, #tpu.memory_space<vmem>> -> memref<128xi32, #tpu.memory_space<vmem>>
      %dma_start3A_44 = arith.constant 0 : i32
      %dma_start3A_45 = arith.constant 0 : i32
      %dma_start3A_46 = tpu.memref_slice %arg4[%dma_start3A_44, %dma_start3A_45] : memref<10112x128xf32, #tpu.memory_space<hbm>> -> memref<10112x128xf32, #tpu.memory_space<hbm>>
      tpu.enqueue_indirect_dma source(%dma_start3A_46 : memref<10112x128xf32, #tpu.memory_space<hbm>>) target(%arg10 : memref<128x128xf32, #tpu.memory_space<vmem>>) offsets(%dma_start3A_43 : memref<128xi32, #tpu.memory_space<vmem>>) semaphore(%arg13 : memref<!tpu.dma_semaphore, #tpu.memory_space<semaphore_mem>>)
      %scan3A = arith.constant 0 : i32
      %scan3A_47 = arith.constant 0 : i32
      %scan3A_48 = arith.constant 4 : i32
      %scan3A_49 = arith.addi %scan3A_47, %scan3A_48 : i32
      %scan3A_50 = arith.constant 1 : i32
      scf.for %scan3A_52 = %scan3A_47 to %scan3A_49 step %scan3A_50  : i32 {
        %mul3A_53 = arith.constant 2 : i32
        %mul3A_54 = arith.muli %scan3A_52, %mul3A_53 : i32
        %add3A_55 = arith.constant 0 : i32
        %add3A_56 = arith.addi %mul3A_54, %add3A_55 : i32
        %dma_wait3A = arith.constant 0 : i32
        %dma_wait3A_57 = tpu.memref_slice %arg7[%add3A_56, %dma_wait3A] : memref<8x128xi32, #tpu.memory_space<vmem>> -> memref<1x128xi32, #tpu.memory_space<vmem>>
        %dma_wait3A_58 = tpu.memref_squeeze %dma_wait3A_57 : memref<1x128xi32, #tpu.memory_space<vmem>> -> memref<128xi32, #tpu.memory_space<vmem>>
        %dma_wait3A_59 = arith.constant 0 : i32
        %dma_wait3A_60 = arith.constant 0 : i32
        %dma_wait3A_61 = tpu.memref_slice %arg4[%dma_wait3A_59, %dma_wait3A_60] : memref<10112x128xf32, #tpu.memory_space<hbm>> -> memref<10112x128xf32, #tpu.memory_space<hbm>>
        tpu.wait_indirect_dma semaphore(%arg12 : memref<!tpu.dma_semaphore, #tpu.memory_space<semaphore_mem>>) src(%dma_wait3A_61 : memref<10112x128xf32, #tpu.memory_space<hbm>>) dst(%arg9 : memref<128x128xf32, #tpu.memory_space<vmem>>)
        "tpu.region"() ({
          %run_scoped3A = tpu.sem_alloc : memref<!tpu.dma_semaphore, #tpu.memory_space<semaphore_mem>>
          %dma_start3A_85 = arith.constant 0 : i32
          %dma_start3A_86 = tpu.memref_slice %arg8[%add3A_56, %dma_start3A_85] : memref<8x128xi32, #tpu.memory_space<vmem>> -> memref<1x128xi32, #tpu.memory_space<vmem>>
          %dma_start3A_87 = tpu.memref_squeeze %dma_start3A_86 : memref<1x128xi32, #tpu.memory_space<vmem>> -> memref<128xi32, #tpu.memory_space<vmem>>
          %dma_start3A_88 = arith.constant 0 : i32
          %dma_start3A_89 = arith.constant 0 : i32
          %dma_start3A_90 = tpu.memref_slice %arg11[%dma_start3A_88, %dma_start3A_89] : memref<10112x128xf32, #tpu.memory_space<vmem_shared>> -> memref<10112x128xf32, #tpu.memory_space<vmem_shared>>
          tpu.enqueue_indirect_dma source(%arg9 : memref<128x128xf32, #tpu.memory_space<vmem>>) target(%dma_start3A_90 : memref<10112x128xf32, #tpu.memory_space<vmem_shared>>) offsets(%dma_start3A_87 : memref<128xi32, #tpu.memory_space<vmem>>) semaphore(%run_scoped3A : memref<!tpu.dma_semaphore, #tpu.memory_space<semaphore_mem>>) {add = true}
          %dma_wait3A_91 = arith.constant 0 : i32
          %dma_wait3A_92 = tpu.memref_slice %arg8[%add3A_56, %dma_wait3A_91] : memref<8x128xi32, #tpu.memory_space<vmem>> -> memref<1x128xi32, #tpu.memory_space<vmem>>
          %dma_wait3A_93 = tpu.memref_squeeze %dma_wait3A_92 : memref<1x128xi32, #tpu.memory_space<vmem>> -> memref<128xi32, #tpu.memory_space<vmem>>
          %dma_wait3A_94 = arith.constant 0 : i32
          %dma_wait3A_95 = arith.constant 0 : i32
          %dma_wait3A_96 = tpu.memref_slice %arg11[%dma_wait3A_94, %dma_wait3A_95] : memref<10112x128xf32, #tpu.memory_space<vmem_shared>> -> memref<10112x128xf32, #tpu.memory_space<vmem_shared>>
          tpu.wait_indirect_dma semaphore(%run_scoped3A : memref<!tpu.dma_semaphore, #tpu.memory_space<semaphore_mem>>) src(%arg9 : memref<128x128xf32, #tpu.memory_space<vmem>>) dst(%dma_wait3A_96 : memref<10112x128xf32, #tpu.memory_space<vmem_shared>>)
          tpu.yield
        }) : () -> ()
        %add3A_62 = arith.constant 2 : i32
        %add3A_63 = arith.addi %add3A_56, %add3A_62 : i32
        %lt3A = arith.constant 8 : i32
        %lt3A_64 = arith.cmpi slt, %add3A_63, %lt3A : i32
        %convert_element_type3A_65 = arith.extui %lt3A_64 : i1 to i32
        %cond3A_66 = arith.constant 0 : i32
        %cond3A_67 = arith.cmpi ne, %convert_element_type3A_65, %cond3A_66 : i32
        scf.if %cond3A_67 {
          %add3A_85 = arith.constant 2 : i32
          %add3A_86 = arith.addi %add3A_56, %add3A_85 : i32
          %dma_start3A_87 = arith.constant 0 : i32
          %dma_start3A_88 = tpu.memref_slice %arg7[%add3A_86, %dma_start3A_87] : memref<8x128xi32, #tpu.memory_space<vmem>> -> memref<1x128xi32, #tpu.memory_space<vmem>>
          %dma_start3A_89 = tpu.memref_squeeze %dma_start3A_88 : memref<1x128xi32, #tpu.memory_space<vmem>> -> memref<128xi32, #tpu.memory_space<vmem>>
          %dma_start3A_90 = arith.constant 0 : i32
          %dma_start3A_91 = arith.constant 0 : i32
          %dma_start3A_92 = tpu.memref_slice %arg4[%dma_start3A_90, %dma_start3A_91] : memref<10112x128xf32, #tpu.memory_space<hbm>> -> memref<10112x128xf32, #tpu.memory_space<hbm>>
          tpu.enqueue_indirect_dma source(%dma_start3A_92 : memref<10112x128xf32, #tpu.memory_space<hbm>>) target(%arg9 : memref<128x128xf32, #tpu.memory_space<vmem>>) offsets(%dma_start3A_89 : memref<128xi32, #tpu.memory_space<vmem>>) semaphore(%arg12 : memref<!tpu.dma_semaphore, #tpu.memory_space<semaphore_mem>>)
        } else {
        }
        %mul3A_68 = arith.constant 2 : i32
        %mul3A_69 = arith.muli %scan3A_52, %mul3A_68 : i32
        %add3A_70 = arith.constant 1 : i32
        %add3A_71 = arith.addi %mul3A_69, %add3A_70 : i32
        %dma_wait3A_72 = arith.constant 0 : i32
        %dma_wait3A_73 = tpu.memref_slice %arg7[%add3A_71, %dma_wait3A_72] : memref<8x128xi32, #tpu.memory_space<vmem>> -> memref<1x128xi32, #tpu.memory_space<vmem>>
        %dma_wait3A_74 = tpu.memref_squeeze %dma_wait3A_73 : memref<1x128xi32, #tpu.memory_space<vmem>> -> memref<128xi32, #tpu.memory_space<vmem>>
        %dma_wait3A_75 = arith.constant 0 : i32
        %dma_wait3A_76 = arith.constant 0 : i32
        %dma_wait3A_77 = tpu.memref_slice %arg4[%dma_wait3A_75, %dma_wait3A_76] : memref<10112x128xf32, #tpu.memory_space<hbm>> -> memref<10112x128xf32, #tpu.memory_space<hbm>>
        tpu.wait_indirect_dma semaphore(%arg13 : memref<!tpu.dma_semaphore, #tpu.memory_space<semaphore_mem>>) src(%dma_wait3A_77 : memref<10112x128xf32, #tpu.memory_space<hbm>>) dst(%arg10 : memref<128x128xf32, #tpu.memory_space<vmem>>)
        "tpu.region"() ({
          %run_scoped3A = tpu.sem_alloc : memref<!tpu.dma_semaphore, #tpu.memory_space<semaphore_mem>>
          %dma_start3A_85 = arith.constant 0 : i32
          %dma_start3A_86 = tpu.memref_slice %arg8[%add3A_71, %dma_start3A_85] : memref<8x128xi32, #tpu.memory_space<vmem>> -> memref<1x128xi32, #tpu.memory_space<vmem>>
          %dma_start3A_87 = tpu.memref_squeeze %dma_start3A_86 : memref<1x128xi32, #tpu.memory_space<vmem>> -> memref<128xi32, #tpu.memory_space<vmem>>
          %dma_start3A_88 = arith.constant 0 : i32
          %dma_start3A_89 = arith.constant 0 : i32
          %dma_start3A_90 = tpu.memref_slice %arg11[%dma_start3A_88, %dma_start3A_89] : memref<10112x128xf32, #tpu.memory_space<vmem_shared>> -> memref<10112x128xf32, #tpu.memory_space<vmem_shared>>
          tpu.enqueue_indirect_dma source(%arg10 : memref<128x128xf32, #tpu.memory_space<vmem>>) target(%dma_start3A_90 : memref<10112x128xf32, #tpu.memory_space<vmem_shared>>) offsets(%dma_start3A_87 : memref<128xi32, #tpu.memory_space<vmem>>) semaphore(%run_scoped3A : memref<!tpu.dma_semaphore, #tpu.memory_space<semaphore_mem>>) {add = true}
          %dma_wait3A_91 = arith.constant 0 : i32
          %dma_wait3A_92 = tpu.memref_slice %arg8[%add3A_71, %dma_wait3A_91] : memref<8x128xi32, #tpu.memory_space<vmem>> -> memref<1x128xi32, #tpu.memory_space<vmem>>
          %dma_wait3A_93 = tpu.memref_squeeze %dma_wait3A_92 : memref<1x128xi32, #tpu.memory_space<vmem>> -> memref<128xi32, #tpu.memory_space<vmem>>
          %dma_wait3A_94 = arith.constant 0 : i32
          %dma_wait3A_95 = arith.constant 0 : i32
          %dma_wait3A_96 = tpu.memref_slice %arg11[%dma_wait3A_94, %dma_wait3A_95] : memref<10112x128xf32, #tpu.memory_space<vmem_shared>> -> memref<10112x128xf32, #tpu.memory_space<vmem_shared>>
          tpu.wait_indirect_dma semaphore(%run_scoped3A : memref<!tpu.dma_semaphore, #tpu.memory_space<semaphore_mem>>) src(%arg10 : memref<128x128xf32, #tpu.memory_space<vmem>>) dst(%dma_wait3A_96 : memref<10112x128xf32, #tpu.memory_space<vmem_shared>>)
          tpu.yield
        }) : () -> ()
        %add3A_78 = arith.constant 2 : i32
        %add3A_79 = arith.addi %add3A_71, %add3A_78 : i32
        %lt3A_80 = arith.constant 8 : i32
        %lt3A_81 = arith.cmpi slt, %add3A_79, %lt3A_80 : i32
        %convert_element_type3A_82 = arith.extui %lt3A_81 : i1 to i32
        %cond3A_83 = arith.constant 0 : i32
        %cond3A_84 = arith.cmpi ne, %convert_element_type3A_82, %cond3A_83 : i32
        scf.if %cond3A_84 {
          %add3A_85 = arith.constant 2 : i32
          %add3A_86 = arith.addi %add3A_71, %add3A_85 : i32
          %dma_start3A_87 = arith.constant 0 : i32
          %dma_start3A_88 = tpu.memref_slice %arg7[%add3A_86, %dma_start3A_87] : memref<8x128xi32, #tpu.memory_space<vmem>> -> memref<1x128xi32, #tpu.memory_space<vmem>>
          %dma_start3A_89 = tpu.memref_squeeze %dma_start3A_88 : memref<1x128xi32, #tpu.memory_space<vmem>> -> memref<128xi32, #tpu.memory_space<vmem>>
          %dma_start3A_90 = arith.constant 0 : i32
          %dma_start3A_91 = arith.constant 0 : i32
          %dma_start3A_92 = tpu.memref_slice %arg4[%dma_start3A_90, %dma_start3A_91] : memref<10112x128xf32, #tpu.memory_space<hbm>> -> memref<10112x128xf32, #tpu.memory_space<hbm>>
          tpu.enqueue_indirect_dma source(%dma_start3A_92 : memref<10112x128xf32, #tpu.memory_space<hbm>>) target(%arg10 : memref<128x128xf32, #tpu.memory_space<vmem>>) offsets(%dma_start3A_89 : memref<128xi32, #tpu.memory_space<vmem>>) semaphore(%arg13 : memref<!tpu.dma_semaphore, #tpu.memory_space<semaphore_mem>>)
        } else {
        }
      }
      %scan3A_51 = arith.constant 4 : i32
    }
    %barrier3A_28 = arith.constant 0 : index
    tpu.barrier barrier_id(%barrier3A_28)
    "tpu.region"() ({
      %run_scoped3A = tpu.sem_alloc : memref<!tpu.dma_semaphore, #tpu.memory_space<semaphore_mem>>
      %dma_start3A = arith.constant 0 : i32
      %dma_start3A_29 = tpu.memref_slice %arg6[%arg0, %mul3A_0, %dma_start3A] : memref<2x10112x128xf32, #tpu.memory_space<hbm>> -> memref<1x632x128xf32, #tpu.memory_space<hbm>>
      %dma_start3A_30 = tpu.memref_squeeze %dma_start3A_29 : memref<1x632x128xf32, #tpu.memory_space<hbm>> -> memref<632x128xf32, #tpu.memory_space<hbm>>
      %dma_start3A_31 = arith.constant 0 : i32
      %dma_start3A_32 = tpu.memref_slice %arg11[%mul3A_0, %dma_start3A_31] : memref<10112x128xf32, #tpu.memory_space<vmem_shared>> -> memref<632x128xf32, #tpu.memory_space<vmem_shared>>
      tpu.enqueue_dma source(%dma_start3A_32 : memref<632x128xf32, #tpu.memory_space<vmem_shared>>) target(%dma_start3A_30 : memref<632x128xf32, #tpu.memory_space<hbm>>) target_semaphore(%run_scoped3A : memref<!tpu.dma_semaphore, #tpu.memory_space<semaphore_mem>>)
      %dma_wait3A = arith.constant 0 : i32
      %dma_wait3A_33 = tpu.memref_slice %arg6[%arg0, %mul3A_0, %dma_wait3A] : memref<2x10112x128xf32, #tpu.memory_space<hbm>> -> memref<1x632x128xf32, #tpu.memory_space<hbm>>
      %dma_wait3A_34 = tpu.memref_squeeze %dma_wait3A_33 : memref<1x632x128xf32, #tpu.memory_space<hbm>> -> memref<632x128xf32, #tpu.memory_space<hbm>>
      %dma_wait3A_35 = arith.constant 0 : i32
      %dma_wait3A_36 = tpu.memref_slice %arg11[%mul3A_0, %dma_wait3A_35] : memref<10112x128xf32, #tpu.memory_space<vmem_shared>> -> memref<632x128xf32, #tpu.memory_space<vmem_shared>>
      tpu.wait_dma2 semaphore(%run_scoped3A : memref<!tpu.dma_semaphore, #tpu.memory_space<semaphore_mem>>) src(%dma_wait3A_36 : memref<632x128xf32, #tpu.memory_space<vmem_shared>>) dst(%dma_wait3A_34 : memref<632x128xf32, #tpu.memory_space<hbm>>)
      tpu.yield
    }) : () -> ()
    return
  }
}

module attributes {stable_mosaic.version = 14 : i64} {
  func.func @_mm_body(%arg0: i32, %arg1: memref<10000x128xf32, #tpu.memory_space<vmem>>, %arg2: memref<128x10000xf32, #tpu.memory_space<vmem>>, %arg3: memref<128x1xf32, #tpu.memory_space<vmem>>, %arg4: memref<128x128xf32, #tpu.memory_space<vmem>>) attributes {dimension_semantics = [#tpu.dimension_semantics<arbitrary>], iteration_bounds = array<i64: 79>, scalar_prefetch = 0 : i64, scratch_operands = 0 : i64, tpu.core_type = #tpu.core_type<tc>, window_params = [{pipeline_mode = #tpu.pipeline_mode<synchronous>, transform_indices = @transform_0, window_bounds = array<i64: 10000, 128>}, {transform_indices = @transform_1, window_bounds = array<i64: 128, 10000>}, {transform_indices = @transform_2, window_bounds = array<i64: 128, 1>}, {transform_indices = @transform_3, window_bounds = array<i64: 128, 128>}]} {
    %get3A = arith.constant 0 : index
    %get3A_0 = arith.constant 0 : index
    %get3A_1 = vector.load %arg2[%get3A, %get3A_0] : memref<128x10000xf32, #tpu.memory_space<vmem>>, vector<128x10000xf32>
    %get3A_2 = arith.constant 0 : index
    %get3A_3 = arith.constant 0 : index
    %get3A_4 = vector.load %arg1[%get3A_2, %get3A_3] : memref<10000x128xf32, #tpu.memory_space<vmem>>, vector<10000x128xf32>
    %dot_general3A = arith.constant dense<0.000000e+00> : vector<128x128xf32>
    %dot_general3A_5 = tpu.matmul %get3A_1, %get3A_4, %dot_general3A {dimension_numbers = #tpu.dot_dimension_numbers<[1], [0], [0], [1], [0, 0, 1, 1], [], []>, transpose_lhs_hint = false} : vector<128x10000xf32>, vector<10000x128xf32>, vector<128x128xf32> -> vector<128x128xf32>
    %get3A_6 = arith.constant 0 : index
    %get3A_7 = arith.constant 0 : index
    %get3A_8 = vector.load %arg3[%get3A_6, %get3A_7] : memref<128x1xf32, #tpu.memory_space<vmem>>, vector<128x1xf32>
    %add3A = vector.broadcast %get3A_8 : vector<128x1xf32> to vector<128x128xf32>
    %add3A_9 = arith.addf %dot_general3A_5, %add3A : vector<128x128xf32>
    %swap3A = arith.constant 0 : index
    %swap3A_10 = arith.constant 0 : index
    %swap3A_11 = vector.load %arg4[%swap3A, %swap3A_10] : memref<128x128xf32, #tpu.memory_space<vmem>>, vector<128x128xf32>
    tpu.vector_store %arg4[%swap3A, %swap3A_10], %add3A_9 {strides = array<i32>} : memref<128x128xf32, #tpu.memory_space<vmem>>, vector<128x128xf32>,
    return
  }
  func.func @transform_0(%arg0: i32) -> (i32, i32) {
    %c0_i32 = arith.constant 0 : i32
    %c0_i32_0 = arith.constant 0 : i32
    %c0_i32_1 = arith.constant 0 : i32
    return %c0_i32, %c0_i32_0 : i32, i32
  }
  func.func @transform_1(%arg0: i32) -> (i32, i32) {
    %c0_i32 = arith.constant 0 : i32
    %c0_i32_0 = arith.constant 0 : i32
    return %arg0, %c0_i32 : i32, i32
  }
  func.func @transform_2(%arg0: i32) -> (i32, i32) {
    %c0_i32 = arith.constant 0 : i32
    %c0_i32_0 = arith.constant 0 : i32
    return %arg0, %c0_i32 : i32, i32
  }
  func.func @transform_3(%arg0: i32) -> (i32, i32) {
    %c0_i32 = arith.constant 0 : i32
    %c0_i32_0 = arith.constant 0 : i32
    return %arg0, %c0_i32 : i32, i32
  }
}

module attributes {stable_mosaic.version = 14 : i64} {
  func.func @_combine_body(%arg0: i32, %arg1: memref<1x10000x128xf32, #tpu.memory_space<vmem>>, %arg2: memref<1x10000x128xf32, #tpu.memory_space<vmem>>, %arg3: memref<1x1xf32, #tpu.memory_space<smem>>, %arg4: memref<1x128x10000xf32, #tpu.memory_space<vmem>>) attributes {dimension_semantics = [#tpu.dimension_semantics<arbitrary>], iteration_bounds = array<i64: 1>, scalar_prefetch = 0 : i64, scratch_operands = 0 : i64, tpu.core_type = #tpu.core_type<tc>, window_params = [{transform_indices = @transform_0, window_bounds = array<i64: 1, 10000, 128>}, {transform_indices = @transform_1, window_bounds = array<i64: 1, 10000, 128>}, {transform_indices = @transform_2, window_bounds = array<i64: 1, 1>}, {pipeline_mode = #tpu.pipeline_mode<synchronous>, transform_indices = @transform_3, window_bounds = array<i64: 1, 128, 10000>}]} {
    %get3A = arith.constant 0 : index
    %get3A_0 = arith.constant 0 : index
    %get3A_1 = arith.constant 0 : index
    %get3A_2 = vector.load %arg1[%get3A, %get3A_0, %get3A_1] : memref<1x10000x128xf32, #tpu.memory_space<vmem>>, vector<1x10000x128xf32>
    %get3A_3 = vector.shape_cast %get3A_2 : vector<1x10000x128xf32> to vector<10000x128xf32>
    %get3A_4 = arith.constant 0 : index
    %get3A_5 = arith.constant 0 : index
    %get3A_6 = arith.constant 0 : index
    %get3A_7 = vector.load %arg2[%get3A_4, %get3A_5, %get3A_6] : memref<1x10000x128xf32, #tpu.memory_space<vmem>>, vector<1x10000x128xf32>
    %get3A_8 = vector.shape_cast %get3A_7 : vector<1x10000x128xf32> to vector<10000x128xf32>
    %add3A = arith.addf %get3A_3, %get3A_8 : vector<10000x128xf32>
    %transpose3A = tpu.transpose %add3A, [1, 0] : vector<10000x128xf32> -> vector<128x10000xf32>
    %get3A_9 = arith.constant 0 : index
    %get3A_10 = arith.constant 0 : index
    %get3A_11 = memref.load %arg3[%get3A_9, %get3A_10] : memref<1x1xf32, #tpu.memory_space<smem>>
    %mul3A = vector.broadcast %get3A_11 : f32 to vector<128x10000xf32>
    %mul3A_12 = arith.mulf %transpose3A, %mul3A : vector<128x10000xf32>
    %broadcast_in_dim3A = vector.shape_cast %mul3A_12 : vector<128x10000xf32> to vector<1x128x10000xf32>
    %swap3A = arith.constant 0 : index
    %swap3A_13 = arith.constant 0 : index
    %swap3A_14 = arith.constant 0 : index
    %swap3A_15 = vector.load %arg4[%swap3A, %swap3A_13, %swap3A_14] : memref<1x128x10000xf32, #tpu.memory_space<vmem>>, vector<1x128x10000xf32>
    tpu.vector_store %arg4[%swap3A, %swap3A_13, %swap3A_14], %broadcast_in_dim3A {strides = array<i32>} : memref<1x128x10000xf32, #tpu.memory_space<vmem>>, vector<1x128x10000xf32>,
    return
  }
  func.func @transform_0(%arg0: i32) -> (i32, i32, i32) {
    %c0_i32 = arith.constant 0 : i32
    %c0_i32_0 = arith.constant 0 : i32
    %c0_i32_1 = arith.constant 0 : i32
    %c0_i32_2 = arith.constant 0 : i32
    return %c0_i32, %c0_i32_0, %c0_i32_1 : i32, i32, i32
  }
  func.func @transform_1(%arg0: i32) -> (i32, i32, i32) {
    %c1_i32 = arith.constant 1 : i32
    %c0_i32 = arith.constant 0 : i32
    %c0_i32_0 = arith.constant 0 : i32
    %c0_i32_1 = arith.constant 0 : i32
    return %c1_i32, %c0_i32, %c0_i32_0 : i32, i32, i32
  }
  func.func @transform_2(%arg0: i32) -> (i32, i32) {
    %c0_i32 = arith.constant 0 : i32
    %c0_i32_0 = arith.constant 0 : i32
    %c0_i32_1 = arith.constant 0 : i32
    return %c0_i32, %c0_i32_0 : i32, i32
  }
  func.func @transform_3(%arg0: i32) -> (i32, i32, i32) {
    %c0_i32 = arith.constant 0 : i32
    %c0_i32_0 = arith.constant 0 : i32
    %c0_i32_1 = arith.constant 0 : i32
    %c0_i32_2 = arith.constant 0 : i32
    return %c0_i32, %c0_i32_0, %c0_i32_1 : i32, i32, i32
  }
}

</mosaic_0001>

<sc_bundles>
// kernel: kernel.5.cloned.1.call-start
scs
__scs_entry_jumppad:
0x0: {  	(pc) =	sbr.rel $0x88, $3  }
0x1: {  	(tag) =	ssettag $0x0;
	lr =	simm.s32 $0x1  }
0x2: {  	[smem:$0x3F9C] =	sst lr;
	_ =	strace $0xD0000000  }
0x3: {  	_ = 	snop  }
0x4: {  	_ = 	snop  }
0x5: {  	_ = 	snop  }
0x6: {  	_ = 	snop  }
0x7: {  	_ = 	snop  }
__scs_overlays_trampoline_lowered:
0x8: {  	[smem:$0x3FAB] =	sst s0  }
0x9: {  	[smem:$0x3FAC] =	sst s1  }
0xa: {  	[smem:$0x3FAD] =	sst s2  }
0xb: {  	[smem:$0x3FAE] =	sst s3  }
0xc: {  	[smem:$0x3FAF] =	sst s4  }
0xd: {  	[smem:$0x3FB0] =	sst s5  }
0xe: {  	[smem:$0x3FB1] =	sst s6  }
0xf: {  	[smem:$0x3FB2] =	sst s7  }
0x10: {  	[smem:$0x3FB3] =	sst s8  }
0x11: {  	[smem:$0x3FB4] =	sst s9;
	s0 =	simm.s32 @!p0 $0x0  }
0x12: {  	s1 =	sld [smem:$0x3F9A];
	s0 =	simm.s32 @p0 $0x1  }
0x13: {  	[smem:$0x3FB5] =	sst s0;
	s0 =	simm.s32 @!p1 $0x0  }
0x14: {  	s2 =	sld [smem:$0x3F99];
	s0 =	simm.s32 @p1 $0x1  }
0x15: {  	[smem:$0x3FB6] =	sst s0;
	s0 =	simm.s32 @!p2 $0x0  }
0x16: {  	s3 =	sld [smem:$0x3FDB];
	s0 =	simm.s32 @p2 $0x1  }
0x17: {  	s4 =	simm.s32 $0x1BF5;
	[smem:$0x3FB8] =	sst s0  }
0x18: {  	s0 =	sld [smem:$0x3F9B];
	_ =	swait.ge [sflag:s4], $0x0  }
0x19: {  	s7 =	sld [smem:$0x3F9C]  }
0x1a: {  	s8 =	sadd.s32 $0xFFFFE003, lr  }
0x1b: {  	s9 =	sadd.s32 $0xFFFFFEF7, lr;
	s5 =	simm.s32 $0xFFFFFFFF;
	p2 =	slt.u32 s8, $0xFFFFF086  }
0x1c: {  	p1 =	slt.u32 s9, $0xF7A;
	s5 =	simm.s32 @!p2 $0x0  }
0x1d: {  	s5 =	simm.s32 @p1 $0x1;
	p0 =	seq.s32 s7, s2  }
0x1e: {  	s7 =	smul.u32 @!p0 $0xF7A, s2;
	p2 =	seq.s32 @!p0 s5, $0x0  }
0x1f: {  	s9 =	smul.u32 $0xF7A, s1;
	s8 =	simm.s32 @!p0 $0x1BF5;
	p2 =	por !p2, p0  }
0x20: {  	[sflag:s8] =	ssyncset.s32 @!p0 $0xFFFFF086;
	s6 =	sadd.s32 @!p0 s3, s7;
	s7 =	simm.s32 @!p0 $0x108  }
0x21: {  	s3 =	sadd.s32 s3, s9;
	s6 =	sadd.s32 @!p0 $0x88, s6;
	s7 =	simm.s32 @p2 $0x1082  }
0x22: {  	[simem:s7], [sflag:s8] =	dma.local @!p0 [hbm:s6], $0xF7A  }
0x23: {  	s9 =	sor.u32 $0xD0000000, s2;
	s6 =	simm.s32 $0x108;
	_ =	swait.ge @!p0 [sflag:s8], $0x0  }
0x24: {  	s3 =	sadd.s32 $0x88, s3;
	s6 =	simm.s32 @!p1 $0x1082;
	[sflag:s4] =	ssyncset.s32 $0xFFFFF086  }
0x25: {  	[simem:s6], [sflag:s4] =	dma.local [hbm:s3], $0xF7A  }
0x26: {  	[smem:$0x3F9C] =	sst s1;
	(tag) =	ssettag s2;
	_ =	strace s9  }
0x27: {  	s1 =	sld [smem:$0x3FAC]  }
0x28: {  	s2 =	sld [smem:$0x3FAD]  }
0x29: {  	s4 =	sld [smem:$0x3FAF]  }
0x2a: {  	p0 =	seq.s32 s5, $0x0;
	s5 =	sld [smem:$0x3FB0]  }
0x2b: {  	s6 =	sld [smem:$0x3FB1]  }
0x2c: {  	s7 =	sld [smem:$0x3FB2]  }
0x2d: {  	s3 =	simm.s32 $0x108;
	s8 =	sld [smem:$0x3FB3]  }
0x2e: {  	s3 =	simm.s32 @!p0 $0x1082;
	s9 =	sld [smem:$0x3FB4]  }
0x2f: {  	lr =	sadd.s32 s0, s3;
	s0 =	sld [smem:$0x3FAB]  }
0x30: {  	s3 =	sld [smem:$0x3FAE]  }
0x31: {  	[smem:$0x3FB7] =	sst s10  }
0x32: {  	s10 =	sld [smem:$0x3FB5];
	_ =	sdelay $0x3  }
0x33: {  	p0 =	seq.s32 s10, $0x1;
	s10 =	sld [smem:$0x3FB7];
	_ =	sdelay $0x3  }
0x34: {  	[smem:$0x3FB7] =	sst s10  }
0x35: {  	s10 =	sld [smem:$0x3FB6];
	_ =	sdelay $0x3  }
0x36: {  	p1 =	seq.s32 s10, $0x1;
	s10 =	sld [smem:$0x3FB7];
	_ =	sdelay $0x3  }
0x37: {  	[smem:$0x3FB7] =	sst s10  }
0x38: {  	s10 =	sld [smem:$0x3FB8]  }
0x39: {  	_ = 	snop;
	(pc) =	sbr.ind lr, $3  }
0x3a: {  	_ = 	snop  }
0x3b: {  	_ = 	snop  }
0x3c: {  	p2 =	seq.s32 s10, $0x1;
	s10 =	sld [smem:$0x3FB7]  }
0x3d: {  	_ =	shalt  }
0x3e: {  	_ =	shalt  }
0x3f: {  	_ =	shalt  }
0x40: {  	_ =	shalt  }
0x41: {  	_ =	shalt  }
0x42: {  	_ =	shalt  }
0x43: {  	_ =	shalt  }
0x44: {  	_ =	shalt  }
0x45: {  	_ =	shalt  }
0x46: {  	_ =	shalt  }
0x47: {  	_ =	shalt  }
0x48: {  	_ =	shalt  }
0x49: {  	_ =	shalt  }
0x4a: {  	_ =	shalt  }
0x4b: {  	_ =	shalt  }
0x4c: {  	_ =	shalt  }
0x4d: {  	_ =	shalt  }
0x4e: {  	_ =	shalt  }
0x4f: {  	_ =	shalt  }
0x50: {  	_ =	shalt  }
0x51: {  	_ =	shalt  }
0x52: {  	_ =	shalt  }
0x53: {  	_ =	shalt  }
0x54: {  	_ =	shalt  }
0x55: {  	_ =	shalt  }
0x56: {  	_ =	shalt  }
0x57: {  	_ =	shalt  }
0x58: {  	_ =	shalt  }
0x59: {  	_ =	shalt  }
0x5a: {  	_ =	shalt  }
0x5b: {  	_ =	shalt  }
0x5c: {  	_ =	shalt  }
0x5d: {  	_ =	shalt  }
0x5e: {  	_ =	shalt  }
0x5f: {  	_ =	shalt  }
0x60: {  	_ =	shalt  }
0x61: {  	_ =	shalt  }
0x62: {  	_ =	shalt  }
0x63: {  	_ =	shalt  }
0x64: {  	_ =	shalt  }
0x65: {  	_ =	shalt  }
0x66: {  	_ =	shalt  }
0x67: {  	_ =	shalt  }
0x68: {  	_ =	shalt  }
0x69: {  	_ =	shalt  }
0x6a: {  	_ =	shalt  }
0x6b: {  	_ =	shalt  }
0x6c: {  	_ =	shalt  }
0x6d: {  	_ =	shalt  }
0x6e: {  	_ =	shalt  }
0x6f: {  	_ =	shalt  }
0x70: {  	_ =	shalt  }
0x71: {  	_ =	shalt  }
0x72: {  	_ =	shalt  }
0x73: {  	_ =	shalt  }
0x74: {  	_ =	shalt  }
0x75: {  	_ =	shalt  }
0x76: {  	_ =	shalt  }
0x77: {  	_ =	shalt  }
0x78: {  	_ =	shalt  }
0x79: {  	_ =	shalt  }
0x7a: {  	_ =	shalt  }
0x7b: {  	_ =	shalt  }
0x7c: {  	_ =	shalt  }
0x7d: {  	_ =	shalt  }
0x7e: {  	_ =	shalt  }
0x7f: {  	_ =	shalt  }
0x80: {  	_ =	shalt  }
0x81: {  	_ =	shalt  }
0x82: {  	_ =	shalt  }
0x83: {  	_ =	shalt  }
0x84: {  	_ =	shalt  }
0x85: {  	_ =	shalt  }
0x86: {  	_ =	shalt  }
0x87: {  	_ =	shalt  }
.Lfunc_end0:
.L_simem_size_0:
called_computation_lowered:
.L_overlay_start_0:
0x88: {  	s2 =	sld [smem:$0x3FD9]  }
0x89: {  	s3 =	sld [smem:$0x3FFE];
	_ =	sdelay $0x1  }
0x8a: {  	s1 =	srdreg.scid  }
0x8b: {  	s0 =	sand.u32 $0x1, s1  }
0x8c: {  	s17 =	sshll.u32 s0, $0xA;
	s2 =	sadd.s32 s3, s2  }
0x8d: {  	s2 =	sadd.s32 s2, s17  }
0x8e: {  	[smem:$0x3FC3] =	sst s2  }
0x8f: {  	_ = 	snop  }
0x90: {  	s2 =	sld [smem:$0x3FD0];
	(tm) =	ssettm $0x1  }
0x91: {  	s18 =	sld [smem:$0x3FFB];
	_ =	sdelay $0x3  }
0x92: {  	_ =	strace s18  }
0x93: {  	s3 =	sld [smem:$0x3FFC];
	_ =	sdelay $0x3  }
0x94: {  	_ =	strace s3  }
0x95: {  	s3 =	sld [smem:$0x3FFD];
	_ =	sdelay $0x3  }
0x96: {  	_ =	strace s3  }
0x97: {  	_ =	strace $0x8FFFFFFF  }
0x98: {  	s19 =	sld [smem:$0x3FDB];
	_ =	sdelay $0x1  }
0x99: {  	s4 =	simm.s32 $_scs_section_size  }
0x9a: {  	s5 =	simm.s32 $_size__tile_overlayer_lowered;
	s6 =	simm.s32 $_tile_overlayer_lowered  }
0x9b: {  	s22 =	simm.s32 $0x1BFF;
	s21 =	sshll.u32 s6, $0x1;
	s3 =	sadd.s32 s4, s19  }
0x9c: {  	s7 =	simm.s32 $0x0;
	s20 =	sshll.u32 s5, $0x1;
	s5 =	sadd.s32 s21, s3  }
0x9d: {  	[timem:s7], [sflag:s22] =	dma.local [hbm:s5], s20  }
0x9e: {  	_ =	swait.ge [sflag:s22], s20  }
0x9f: {  	s4 =	ssub.s32 $0x0, s20;
	[sflag:s22] =	ssyncset.done $0x0  }
0xa0: {  	[sflag:s22] =	ssyncadd.s32 s4;
	_ =	sdelay $0x1  }
0xa1: {  	s23 =	simm.s32 $0x1B8B  }
0xa2: {  	_ =	swait.ge [sflag:s23], $0x1  }
0xa3: {  	[sflag:s23] =	ssyncset.done $0x0  }
0xa4: {  	s25 =	simm.s32 $0x1B8E;
	s24 =	sld [smem:$0x3FFE];
	[sflag:s23] =	ssyncadd.s32 $0xFFFFFFFF  }
0xa5: {  	s26 =	simm.s32 $execute0_lowered;
	[smem:$0x3FD2] =	sst s25  }
0xa6: {  	s5 =	sshll.u32 s26, $0x1;
	_ =	strace $0x80000046;
	[dreg:$0x1] =	wrdreg $0xFFFFFFFF  }
0xa7: {  	s28 =	simm.s32 $_size_execute0_lowered;
	s3 =	sadd.s32 s3, s5;
	[dreg:$0x0] =	wrdreg $0x0  }
0xa8: {  	s5 =	sshll.u32 s28, $0x1;
	[dreg:$0x2] =	wrdreg s3  }
0xa9: {  	[dreg:$0x3] =	wrdreg s5  }
0xaa: {  	[dreg:$0x4] =	wrdreg $0xC0  }
0xab: {  	_ =	task [dreg:s7], $0x5FFFF  }
0xac: {  	[dreg:$0x1] =	wrdreg $0xFFFFFFFF  }
0xad: {  	[dreg:$0x0] =	wrdreg $0x60  }
0xae: {  	[dreg:$0x2] =	wrdreg s2  }
0xaf: {  	[dreg:$0x3] =	wrdreg s24  }
0xb0: {  	[dreg:$0x4] =	wrdreg $0x88000  }
0xb1: {  	[dreg:$0x5] =	wrdreg $0x9  }
0xb2: {  	_ =	task.clear_ibuf [dreg:s7], $0x6FFFF;
	_ =	strace $0x90000046  }
0xb3: {  	s29 =	simm.s32 $0x9;
	_ =	strace $0x80000048  }
0xb4: {  	_ =	swait.ge [sflag:s29], $0x1  }
0xb5: {  	[sflag:s29] =	ssyncadd.s32 $0xFFFFFFFF  }
0xb6: {  	_ =	strace $0x90000048  }
0xb7: {  	_ =	sfence  }
0xb8: {  	s30 =	sld [smem:$0x0];
	_ =	sdelay $0x2  }
0xb9: {  	s31 =	sshll.u32 s1, $0xD;
	s1 =	sshrl.u32 s1, $0x2  }
0xba: {  	s3 =	sand.u32 $0x4000, s31;
	s1 =	sadd.s32 s1, s30  }
0xbb: {  	s0 =	sor.u32 s3, s0;
	s1 =	sshll.u32 s1, $0x11  }
0xbc: {  	s0 =	sor.u32 s1, s0  }
0xbd: {  	s0 =	sadd.s32 $0x8F2B, s0  }
0xbe: {  	[sflag:s0] =	ssyncadd.remote.s32 $0x1  }
0xbf: {  	_ =	sfence.sel $0xFFFF  }
0xc0: {  	[dreg:$0x0] =	wrdreg $0xFFFFFFFF;
	(pc) =	sbr.abs _section_cstart, $3  }
0xc1: {  	[dreg:$0x1] =	wrdreg $0xFFFFFFFF  }
0xc2: {  	_ =	task.clear_ibuf [dreg:s7], $0x2FFFF;
	_ =	strace $0x9FFFFFFF  }
0xc3: {  	(tm) =	ssettm $0x7FFFFFFF  }
tec
execute0_lowered:
.L_overlay_start_1:
0x0: {  	(tag) =	ssettag $0x1  }
0x1: {  	s0 =	rddreg [dreg:$0x0]  }
0x2: {  	s1 =	rddreg [dreg:$0x1]  }
0x3: {  	s11 =	stileid.u32;
	s3 =	srdreg.scid  }
0x4: {  	s2 =	rddreg [dreg:$0x2];
	s12 =	simm.s32 $0x3;
	s13 =	simm.s32 $0x400  }
0x5: {  	s14 =	simm.s32 $0x80;
	s15 =	simm.s32 $0x800;
	s16 =	simm.s32 $0x4800  }
0x6: {  	s17 =	simm.s32 $0x1;
	s18 =	simm.s32 $0x100;
	s19 =	simm.s32 $0x2  }
0x7: {  	s20 =	simm.s32 $0x480;
	s28 =	simm.s32 $0x300;
	s4 =	smul.u32 $0x50, s11  }
0x8: {  	s29 =	simm.s32 $0x680;
	s30 =	simm.s32 $0x380;
	s8 =	smul.u32 $0x13C00, s11  }
0x9: {  	s31 =	simm.s32 $0x700;
	s5 =	sand.u32 $0x1, s3;
	s21 =	smul.u32 $0x4F000, s11  }
0xa: {  	s3 =	simm.s32 $0x0;
	s10 =	sadd.s32 $0x32200, s1;
	s24 =	smul.u32 $0x2780, s11  }
0xb: {  	s25 =	sshll.u32 s11, $0x6;
	p0 =	seq.s32 s5, $0x0;
	s7 =	smul.u32 $0x13C000, s5  }
0xc: {  	[smem:$0x7FF] =	sst s3;
	s5 =	ssub.s32 $0x2, s5;
	s6 =	sadd.s32 $0x500, s4  }
0xd: {  	_ =	strace $0x80000047;
	s22 =	sshrl.u32 s5, $0x1;
	s6 =	smov.u32 @p0 s4  }
0xe: {  	s4 =	sadd.s32 $0xAA00, s1;
	s7 =	sadd.s32 s8, s7;
	s8 =	sshrl.u32 s21, $0x2  }
0xf: {  	s5 =	ssub.s32 s5, s22;
	s21 =	simm.s32 $0x180;
	s22 =	simm.s32 $0x500  }
0x10: {  	s6 =	sshll.u32 s6, $0x4;
	s7 =	sshrl.u32 s7, $0x3;
	s23 =	sadd.s32 s8, s2  }
0x11: {  	s10 =	smov.u32 @p0 s4;
	s5 =	smax.u32 s5, $0x1;
	s8 =	sor.u32 $0x1C03, s25  }
0x12: {  	s25 =	simm.s32 $0x280;
	s9 =	sadd.s32 s6, s1;
	s1 =	sadd.s32 s7, s1  }
0x13: {  	[dreg:$0x5] =	wrdreg s5;
	s26 =	sadd.s32 s10, s24;
	s10 =	sadd.s32 s6, s0  }
0x14: {  	s6 =	sshrl.u32 s23, $0x3;
	s23 =	simm.s32 $0x200;
	[dreg:$0x7] =	wrdreg s8  }
0x15: {  	s24 =	simm.s32 $0x580;
	s0 =	simm.s32 $0x0;
	[dreg:$0x6] =	wrdreg s26  }
0x16: {  	s1 =	sadd.s32 $0x59A00, s1;
	s9 =	sadd.s32 $0xA00, s9;
	[dreg:$0x8] =	wrdreg s6  }
0x17: {  	s26 =	simm.s32 $0x600;
	[dreg:$0x4] =	wrdreg s1;
	s1 =	simm.s32 $0x780  }
.LBB2_1:
0x18: {  	s5 =	rddreg [dreg:$0x6]  }
0x19: {  	[spmem:s6], [sflag:s8] =	dma.local [hbm:s5], $0x2780  }
0x1a: {  	_ =	swait.ge [sflag:s12], $0x2780  }
0x1b: {  	[sflag:s12] =	ssyncset.done $0x0  }
0x1c: {  	[sflag:s12] =	ssyncadd.s32 $0xFFFFD880  }
0x1d: {  	s8 =	sadd.s32 $0x0, s10;
	[bflag:$0x0] =	sbarrier.arrive $0xFFFF  }
0x1e: {  	[tilespmem:s3], [sflag:$0x3] =	stream.linear.gather [hbm4b:s8+s3], $0x400, $0x38;
	[tilespmem:$0x1C400] =	vst v63  }
0x1f: {  	_ =	swait.ge [sflag:s12], $0x400  }
0x20: {  	[sflag:s12] =	ssyncset.done $0x0  }
0x21: {  	s11 =	sadd.s32 $0x0, s9;
	[sflag:s12] =	ssyncadd.s32 $0xFFFFFC00  }
0x22: {  	[tilespmem:s13], [sflag:$0x3] =	stream.linear.gather [hbm4b:s11+s3], $0x400, $0x38;
	[tilespmem:$0x1C400] =	vst v63  }
0x23: {  	_ =	swait.ge [sflag:s12], $0x400  }
0x24: {  	[sflag:s12] =	ssyncset.done $0x0  }
0x25: {  	[sflag:s12] =	ssyncadd.s32 $0xFFFFFC00  }
0x26: {  	[tilespmem:s15], [sflag:$0x1] =	stream.indirect.gather [hbm4b:s4+s14], $0x80, s3, s14, $0xb8;
	[tilespmem:$0x1C400] =	vst v63  }
0x27: {  	_ = 	snop  }
0x28: {  	[tilespmem:s16], [sflag:$0x2] =	stream.indirect.gather [hbm4b:s4+s14], $0x80, s14, s14, $0xb8;
	[tilespmem:$0x1C400] =	vst v63  }
0x29: {  	_ =	swait.ge [sflag:s17], $0x4000  }
0x2a: {  	[sflag:s17] =	ssyncset.done $0x0  }
0x2b: {  	[sflag:s17] =	ssyncadd.s32 $0xFFFFC000  }
0x2c: {  	[spmem:s2] =	stream.indirect.scatter.add.f32 [tilespmem:s15], [sflag:$0x3], $0x80, s13, s14, $0xb8;
	[tilespmem:$0x1C400] =	vst v63  }
0x2d: {  	_ =	swait.ge [sflag:s12], $0x4000  }
0x2e: {  	[sflag:s12] =	ssyncset.done $0x0  }
0x2f: {  	[sflag:s12] =	ssyncadd.s32 $0xFFFFC000  }
0x30: {  	[tilespmem:s15], [sflag:$0x1] =	stream.indirect.gather [hbm4b:s4+s14], $0x80, s18, s14, $0xb8;
	[tilespmem:$0x1C400] =	vst v63  }
0x31: {  	_ =	swait.ge [sflag:s19], $0x4000  }
0x32: {  	[sflag:s19] =	ssyncset.done $0x0  }
0x33: {  	[sflag:s19] =	ssyncadd.s32 $0xFFFFC000  }
0x34: {  	[spmem:s2] =	stream.indirect.scatter.add.f32 [tilespmem:s16], [sflag:$0x3], $0x80, s20, s14, $0xb8;
	[tilespmem:$0x1C400] =	vst v63  }
0x35: {  	_ =	swait.ge [sflag:s12], $0x4000  }
0x36: {  	[sflag:s12] =	ssyncset.done $0x0  }
0x37: {  	[sflag:s12] =	ssyncadd.s32 $0xFFFFC000  }
0x38: {  	[tilespmem:s16], [sflag:$0x2] =	stream.indirect.gather [hbm4b:s4+s14], $0x80, s21, s14, $0xb8;
	[tilespmem:$0x1C400] =	vst v63  }
0x39: {  	_ =	swait.ge [sflag:s17], $0x4000  }
0x3a: {  	[sflag:s17] =	ssyncset.done $0x0  }
0x3b: {  	[sflag:s17] =	ssyncadd.s32 $0xFFFFC000  }
0x3c: {  	[spmem:s2] =	stream.indirect.scatter.add.f32 [tilespmem:s15], [sflag:$0x3], $0x80, s22, s14, $0xb8;
	[tilespmem:$0x1C400] =	vst v63  }
0x3d: {  	_ =	swait.ge [sflag:s12], $0x4000  }
0x3e: {  	[sflag:s12] =	ssyncset.done $0x0  }
0x3f: {  	[sflag:s12] =	ssyncadd.s32 $0xFFFFC000  }
0x40: {  	[tilespmem:s15], [sflag:$0x1] =	stream.indirect.gather [hbm4b:s4+s14], $0x80, s23, s14, $0xb8;
	[tilespmem:$0x1C400] =	vst v63  }
0x41: {  	_ =	swait.ge [sflag:s19], $0x4000  }
0x42: {  	[sflag:s19] =	ssyncset.done $0x0  }
0x43: {  	[sflag:s19] =	ssyncadd.s32 $0xFFFFC000  }
0x44: {  	[spmem:s2] =	stream.indirect.scatter.add.f32 [tilespmem:s16], [sflag:$0x3], $0x80, s24, s14, $0xb8;
	[tilespmem:$0x1C400] =	vst v63  }
0x45: {  	_ =	swait.ge [sflag:s12], $0x4000  }
0x46: {  	[sflag:s12] =	ssyncset.done $0x0  }
0x47: {  	[sflag:s12] =	ssyncadd.s32 $0xFFFFC000  }
0x48: {  	[tilespmem:s16], [sflag:$0x2] =	stream.indirect.gather [hbm4b:s4+s14], $0x80, s25, s14, $0xb8;
	[tilespmem:$0x1C400] =	vst v63  }
0x49: {  	_ =	swait.ge [sflag:s17], $0x4000  }
0x4a: {  	[sflag:s17] =	ssyncset.done $0x0  }
0x4b: {  	[sflag:s17] =	ssyncadd.s32 $0xFFFFC000  }
0x4c: {  	[spmem:s2] =	stream.indirect.scatter.add.f32 [tilespmem:s15], [sflag:$0x3], $0x80, s26, s14, $0xb8;
	[tilespmem:$0x1C400] =	vst v63  }
0x4d: {  	_ =	swait.ge [sflag:s12], $0x4000  }
0x4e: {  	[sflag:s12] =	ssyncset.done $0x0  }
0x4f: {  	[sflag:s12] =	ssyncadd.s32 $0xFFFFC000  }
0x50: {  	[tilespmem:s15], [sflag:$0x1] =	stream.indirect.gather [hbm4b:s4+s14], $0x80, s28, s14, $0xb8;
	[tilespmem:$0x1C400] =	vst v63  }
0x51: {  	_ =	swait.ge [sflag:s19], $0x4000  }
0x52: {  	[sflag:s19] =	ssyncset.done $0x0  }
0x53: {  	[sflag:s19] =	ssyncadd.s32 $0xFFFFC000  }
0x54: {  	[spmem:s2] =	stream.indirect.scatter.add.f32 [tilespmem:s16], [sflag:$0x3], $0x80, s29, s14, $0xb8;
	[tilespmem:$0x1C400] =	vst v63  }
0x55: {  	_ =	swait.ge [sflag:s12], $0x4000  }
0x56: {  	[sflag:s12] =	ssyncset.done $0x0  }
0x57: {  	[sflag:s12] =	ssyncadd.s32 $0xFFFFC000  }
0x58: {  	[tilespmem:s16], [sflag:$0x2] =	stream.indirect.gather [hbm4b:s4+s14], $0x80, s30, s14, $0xb8;
	[tilespmem:$0x1C400] =	vst v63  }
0x59: {  	_ =	swait.ge [sflag:s17], $0x4000  }
0x5a: {  	[sflag:s17] =	ssyncset.done $0x0  }
0x5b: {  	[sflag:s17] =	ssyncadd.s32 $0xFFFFC000  }
0x5c: {  	[spmem:s2] =	stream.indirect.scatter.add.f32 [tilespmem:s15], [sflag:$0x3], $0x80, s31, s14, $0xb8;
	[tilespmem:$0x1C400] =	vst v63  }
0x5d: {  	_ =	swait.ge [sflag:s12], $0x4000  }
0x5e: {  	[sflag:s12] =	ssyncset.done $0x0  }
0x5f: {  	[sflag:s12] =	ssyncadd.s32 $0xFFFFC000  }
0x60: {  	_ =	swait.ge [sflag:s19], $0x4000  }
0x61: {  	[sflag:s19] =	ssyncset.done $0x0  }
0x62: {  	[sflag:s19] =	ssyncadd.s32 $0xFFFFC000  }
0x63: {  	[spmem:s2] =	stream.indirect.scatter.add.f32 [tilespmem:s16], [sflag:$0x3], $0x80, s1, s14, $0xb8;
	[tilespmem:$0x1C400] =	vst v63  }
0x64: {  	_ =	swait.ge [sflag:s12], $0x4000  }
0x65: {  	s5 =	simm.s32 $0x80;
	s6 =	simm.s32 $0x100;
	[sflag:s12] =	ssyncset.done $0x0  }
.LBB2_2:
0x66: {  	s8 =	sadd.s32 s5, s10  }
0x67: {  	[sflag:s12] =	ssyncadd.s32 $0xFFFFC000;
	s11 =	smov.u32 s6;
	s7 =	sadd.s32 $0x80, s6  }
0x68: {  	[tilespmem:s3], [sflag:$0x3] =	stream.linear.gather [hbm4b:s8+s3], $0x400, $0x38;
	[tilespmem:$0x1C400] =	vst v63  }
0x69: {  	p0 =	sne.s32 s6, $0x480;
	_ =	swait.ge [sflag:s12], $0x400  }
0x6a: {  	[sflag:s12] =	ssyncset.done $0x0  }
0x6b: {  	s6 =	sadd.s32 s5, s9;
	s5 =	smov.u32 s11;
	[sflag:s12] =	ssyncadd.s32 $0xFFFFFC00  }
0x6c: {  	[tilespmem:s13], [sflag:$0x3] =	stream.linear.gather [hbm4b:s6+s3], $0x400, $0x38;
	[tilespmem:$0x1C400] =	vst v63  }
0x6d: {  	_ =	swait.ge [sflag:s12], $0x400  }
0x6e: {  	[sflag:s12] =	ssyncset.done $0x0  }
0x6f: {  	[sflag:s12] =	ssyncadd.s32 $0xFFFFFC00  }
0x70: {  	[tilespmem:s15], [sflag:$0x1] =	stream.indirect.gather [hbm4b:s4+s14], $0x80, s3, s14, $0xb8;
	[tilespmem:$0x1C400] =	vst v63  }
0x71: {  	_ = 	snop  }
0x72: {  	[tilespmem:s16], [sflag:$0x2] =	stream.indirect.gather [hbm4b:s4+s14], $0x80, s14, s14, $0xb8;
	[tilespmem:$0x1C400] =	vst v63  }
0x73: {  	_ =	swait.ge [sflag:s17], $0x4000  }
0x74: {  	[sflag:s17] =	ssyncset.done $0x0  }
0x75: {  	[sflag:s17] =	ssyncadd.s32 $0xFFFFC000  }
0x76: {  	[spmem:s2] =	stream.indirect.scatter.add.f32 [tilespmem:s15], [sflag:$0x3], $0x80, s13, s14, $0xb8;
	[tilespmem:$0x1C400] =	vst v63  }
0x77: {  	_ =	swait.ge [sflag:s12], $0x4000  }
0x78: {  	[sflag:s12] =	ssyncset.done $0x0  }
0x79: {  	[sflag:s12] =	ssyncadd.s32 $0xFFFFC000  }
0x7a: {  	[tilespmem:s15], [sflag:$0x1] =	stream.indirect.gather [hbm4b:s4+s14], $0x80, s18, s14, $0xb8;
	[tilespmem:$0x1C400] =	vst v63  }
0x7b: {  	_ =	swait.ge [sflag:s19], $0x4000  }
0x7c: {  	[sflag:s19] =	ssyncset.done $0x0  }
0x7d: {  	[sflag:s19] =	ssyncadd.s32 $0xFFFFC000  }
0x7e: {  	[spmem:s2] =	stream.indirect.scatter.add.f32 [tilespmem:s16], [sflag:$0x3], $0x80, s20, s14, $0xb8;
	[tilespmem:$0x1C400] =	vst v63  }
0x7f: {  	_ =	swait.ge [sflag:s12], $0x4000  }
0x80: {  	[sflag:s12] =	ssyncset.done $0x0  }
0x81: {  	[sflag:s12] =	ssyncadd.s32 $0xFFFFC000  }
0x82: {  	[tilespmem:s16], [sflag:$0x2] =	stream.indirect.gather [hbm4b:s4+s14], $0x80, s21, s14, $0xb8;
	[tilespmem:$0x1C400] =	vst v63  }
0x83: {  	_ =	swait.ge [sflag:s17], $0x4000  }
0x84: {  	[sflag:s17] =	ssyncset.done $0x0  }
0x85: {  	[sflag:s17] =	ssyncadd.s32 $0xFFFFC000  }
0x86: {  	[spmem:s2] =	stream.indirect.scatter.add.f32 [tilespmem:s15], [sflag:$0x3], $0x80, s22, s14, $0xb8;
	[tilespmem:$0x1C400] =	vst v63  }
0x87: {  	_ =	swait.ge [sflag:s12], $0x4000  }
0x88: {  	[sflag:s12] =	ssyncset.done $0x0  }
0x89: {  	[sflag:s12] =	ssyncadd.s32 $0xFFFFC000  }
0x8a: {  	[tilespmem:s15], [sflag:$0x1] =	stream.indirect.gather [hbm4b:s4+s14], $0x80, s23, s14, $0xb8;
	[tilespmem:$0x1C400] =	vst v63  }
0x8b: {  	_ =	swait.ge [sflag:s19], $0x4000  }
0x8c: {  	[sflag:s19] =	ssyncset.done $0x0  }
0x8d: {  	[sflag:s19] =	ssyncadd.s32 $0xFFFFC000  }
0x8e: {  	[spmem:s2] =	stream.indirect.scatter.add.f32 [tilespmem:s16], [sflag:$0x3], $0x80, s24, s14, $0xb8;
	[tilespmem:$0x1C400] =	vst v63  }
0x8f: {  	_ =	swait.ge [sflag:s12], $0x4000  }
0x90: {  	[sflag:s12] =	ssyncset.done $0x0  }
0x91: {  	[sflag:s12] =	ssyncadd.s32 $0xFFFFC000  }
0x92: {  	[tilespmem:s16], [sflag:$0x2] =	stream.indirect.gather [hbm4b:s4+s14], $0x80, s25, s14, $0xb8;
	[tilespmem:$0x1C400] =	vst v63  }
0x93: {  	_ =	swait.ge [sflag:s17], $0x4000  }
0x94: {  	[sflag:s17] =	ssyncset.done $0x0  }
0x95: {  	[sflag:s17] =	ssyncadd.s32 $0xFFFFC000  }
0x96: {  	[spmem:s2] =	stream.indirect.scatter.add.f32 [tilespmem:s15], [sflag:$0x3], $0x80, s26, s14, $0xb8;
	[tilespmem:$0x1C400] =	vst v63  }
0x97: {  	_ =	swait.ge [sflag:s12], $0x4000  }
0x98: {  	[sflag:s12] =	ssyncset.done $0x0  }
0x99: {  	[sflag:s12] =	ssyncadd.s32 $0xFFFFC000  }
0x9a: {  	[tilespmem:s15], [sflag:$0x1] =	stream.indirect.gather [hbm4b:s4+s14], $0x80, s28, s14, $0xb8;
	[tilespmem:$0x1C400] =	vst v63  }
0x9b: {  	_ =	swait.ge [sflag:s19], $0x4000  }
0x9c: {  	[sflag:s19] =	ssyncset.done $0x0  }
0x9d: {  	[sflag:s19] =	ssyncadd.s32 $0xFFFFC000  }
0x9e: {  	[spmem:s2] =	stream.indirect.scatter.add.f32 [tilespmem:s16], [sflag:$0x3], $0x80, s29, s14, $0xb8;
	[tilespmem:$0x1C400] =	vst v63  }
0x9f: {  	_ =	swait.ge [sflag:s12], $0x4000  }
0xa0: {  	[sflag:s12] =	ssyncset.done $0x0  }
0xa1: {  	[sflag:s12] =	ssyncadd.s32 $0xFFFFC000  }
0xa2: {  	[tilespmem:s16], [sflag:$0x2] =	stream.indirect.gather [hbm4b:s4+s14], $0x80, s30, s14, $0xb8;
	[tilespmem:$0x1C400] =	vst v63  }
0xa3: {  	_ =	swait.ge [sflag:s17], $0x4000  }
0xa4: {  	[sflag:s17] =	ssyncset.done $0x0  }
0xa5: {  	[sflag:s17] =	ssyncadd.s32 $0xFFFFC000  }
0xa6: {  	[spmem:s2] =	stream.indirect.scatter.add.f32 [tilespmem:s15], [sflag:$0x3], $0x80, s31, s14, $0xb8;
	[tilespmem:$0x1C400] =	vst v63  }
0xa7: {  	_ =	swait.ge [sflag:s12], $0x4000  }
0xa8: {  	[sflag:s12] =	ssyncset.done $0x0  }
0xa9: {  	[sflag:s12] =	ssyncadd.s32 $0xFFFFC000  }
0xaa: {  	_ =	swait.ge [sflag:s19], $0x4000  }
.Ltmp0:
0xab: {  	[sflag:s19] =	ssyncset.done $0x0;
	(pc) =	sbr.rel @p0 .LBB2_2-.Ltmp0, $4  }
0xac: {  	[sflag:s19] =	ssyncadd.s32 $0xFFFFC000  }
0xad: {  	[spmem:s2] =	stream.indirect.scatter.add.f32 [tilespmem:s16], [sflag:$0x3], $0x80, s1, s14, $0xb8;
	[tilespmem:$0x1C400] =	vst v63  }
0xae: {  	_ =	swait.ge [sflag:s12], $0x4000  }
0xaf: {  	s6 =	smov.u32 s7;
	[sflag:s12] =	ssyncset.done $0x0  }
0xb0: {  	s6 =	sadd.s32 s5, s10;
	[sflag:s12] =	ssyncadd.s32 $0xFFFFC000  }
0xb1: {  	[tilespmem:s3], [sflag:$0x3] =	stream.linear.gather [hbm4b:s6+s3], $0x400, $0x38;
	[tilespmem:$0x1C400] =	vst v63  }
0xb2: {  	_ =	swait.ge [sflag:s12], $0x400  }
0xb3: {  	[sflag:s12] =	ssyncset.done $0x0  }
0xb4: {  	s6 =	sadd.s32 s5, s9;
	[sflag:s12] =	ssyncadd.s32 $0xFFFFFC00  }
0xb5: {  	[tilespmem:s13], [sflag:$0x3] =	stream.linear.gather [hbm4b:s6+s3], $0x400, $0x38;
	[tilespmem:$0x1C400] =	vst v63  }
0xb6: {  	_ =	swait.ge [sflag:s12], $0x400  }
0xb7: {  	[sflag:s12] =	ssyncset.done $0x0  }
0xb8: {  	[sflag:s12] =	ssyncadd.s32 $0xFFFFFC00  }
0xb9: {  	[tilespmem:s15], [sflag:$0x1] =	stream.indirect.gather [hbm4b:s4+s14], $0x80, s3, s14, $0xb8;
	[tilespmem:$0x1C400] =	vst v63  }
0xba: {  	_ = 	snop  }
0xbb: {  	[tilespmem:s16], [sflag:$0x2] =	stream.indirect.gather [hbm4b:s4+s14], $0x80, s14, s14, $0xb8;
	[tilespmem:$0x1C400] =	vst v63  }
0xbc: {  	_ =	swait.ge [sflag:s17], $0x4000  }
0xbd: {  	[sflag:s17] =	ssyncset.done $0x0  }
0xbe: {  	[sflag:s17] =	ssyncadd.s32 $0xFFFFC000  }
0xbf: {  	[spmem:s2] =	stream.indirect.scatter.add.f32 [tilespmem:s15], [sflag:$0x3], $0x80, s13, s14, $0xb8;
	[tilespmem:$0x1C400] =	vst v63  }
0xc0: {  	_ =	swait.ge [sflag:s12], $0x4000  }
0xc1: {  	[sflag:s12] =	ssyncset.done $0x0  }
0xc2: {  	[sflag:s12] =	ssyncadd.s32 $0xFFFFC000  }
0xc3: {  	[tilespmem:s15], [sflag:$0x1] =	stream.indirect.gather [hbm4b:s4+s14], $0x80, s18, s14, $0xb8;
	[tilespmem:$0x1C400] =	vst v63  }
0xc4: {  	_ =	swait.ge [sflag:s19], $0x4000  }
0xc5: {  	[sflag:s19] =	ssyncset.done $0x0  }
0xc6: {  	[sflag:s19] =	ssyncadd.s32 $0xFFFFC000  }
0xc7: {  	[spmem:s2] =	stream.indirect.scatter.add.f32 [tilespmem:s16], [sflag:$0x3], $0x80, s20, s14, $0xb8;
	[tilespmem:$0x1C400] =	vst v63  }
0xc8: {  	_ =	swait.ge [sflag:s12], $0x4000  }
0xc9: {  	[sflag:s12] =	ssyncset.done $0x0  }
0xca: {  	[sflag:s12] =	ssyncadd.s32 $0xFFFFC000  }
0xcb: {  	[tilespmem:s16], [sflag:$0x2] =	stream.indirect.gather [hbm4b:s4+s14], $0x80, s21, s14, $0xb8;
	[tilespmem:$0x1C400] =	vst v63  }
0xcc: {  	_ =	swait.ge [sflag:s17], $0x4000  }
0xcd: {  	[sflag:s17] =	ssyncset.done $0x0  }
0xce: {  	[sflag:s17] =	ssyncadd.s32 $0xFFFFC000  }
0xcf: {  	[spmem:s2] =	stream.indirect.scatter.add.f32 [tilespmem:s15], [sflag:$0x3], $0x80, s22, s14, $0xb8;
	[tilespmem:$0x1C400] =	vst v63  }
0xd0: {  	_ =	swait.ge [sflag:s12], $0x4000  }
0xd1: {  	[sflag:s12] =	ssyncset.done $0x0  }
0xd2: {  	[sflag:s12] =	ssyncadd.s32 $0xFFFFC000  }
0xd3: {  	[tilespmem:s15], [sflag:$0x1] =	stream.indirect.gather [hbm4b:s4+s14], $0x80, s23, s14, $0xb8;
	[tilespmem:$0x1C400] =	vst v63  }
0xd4: {  	_ =	swait.ge [sflag:s19], $0x4000  }
0xd5: {  	[sflag:s19] =	ssyncset.done $0x0  }
0xd6: {  	[sflag:s19] =	ssyncadd.s32 $0xFFFFC000  }
0xd7: {  	[spmem:s2] =	stream.indirect.scatter.add.f32 [tilespmem:s16], [sflag:$0x3], $0x80, s24, s14, $0xb8;
	[tilespmem:$0x1C400] =	vst v63  }
0xd8: {  	_ =	swait.ge [sflag:s12], $0x4000  }
0xd9: {  	[sflag:s12] =	ssyncset.done $0x0  }
0xda: {  	[sflag:s12] =	ssyncadd.s32 $0xFFFFC000  }
0xdb: {  	[tilespmem:s16], [sflag:$0x2] =	stream.indirect.gather [hbm4b:s4+s14], $0x80, s25, s14, $0xb8;
	[tilespmem:$0x1C400] =	vst v63  }
0xdc: {  	_ =	swait.ge [sflag:s17], $0x4000  }
0xdd: {  	[sflag:s17] =	ssyncset.done $0x0  }
0xde: {  	[sflag:s17] =	ssyncadd.s32 $0xFFFFC000  }
0xdf: {  	[spmem:s2] =	stream.indirect.scatter.add.f32 [tilespmem:s15], [sflag:$0x3], $0x80, s26, s14, $0xb8;
	[tilespmem:$0x1C400] =	vst v63  }
0xe0: {  	_ =	swait.ge [sflag:s12], $0x4000  }
0xe1: {  	[sflag:s12] =	ssyncset.done $0x0  }
0xe2: {  	[sflag:s12] =	ssyncadd.s32 $0xFFFFC000  }
0xe3: {  	[tilespmem:s15], [sflag:$0x1] =	stream.indirect.gather [hbm4b:s4+s14], $0x80, s28, s14, $0xb8;
	[tilespmem:$0x1C400] =	vst v63  }
0xe4: {  	_ =	swait.ge [sflag:s19], $0x4000  }
0xe5: {  	[sflag:s19] =	ssyncset.done $0x0  }
0xe6: {  	[sflag:s19] =	ssyncadd.s32 $0xFFFFC000  }
0xe7: {  	[spmem:s2] =	stream.indirect.scatter.add.f32 [tilespmem:s16], [sflag:$0x3], $0x80, s29, s14, $0xb8;
	[tilespmem:$0x1C400] =	vst v63  }
0xe8: {  	_ =	swait.ge [sflag:s12], $0x4000  }
0xe9: {  	[sflag:s12] =	ssyncset.done $0x0  }
0xea: {  	[sflag:s12] =	ssyncadd.s32 $0xFFFFC000  }
0xeb: {  	[tilespmem:s16], [sflag:$0x2] =	stream.indirect.gather [hbm4b:s4+s14], $0x80, s30, s14, $0xb8;
	[tilespmem:$0x1C400] =	vst v63  }
0xec: {  	_ =	swait.ge [sflag:s17], $0x4000  }
0xed: {  	[sflag:s17] =	ssyncset.done $0x0  }
0xee: {  	[sflag:s17] =	ssyncadd.s32 $0xFFFFC000  }
0xef: {  	[spmem:s2] =	stream.indirect.scatter.add.f32 [tilespmem:s15], [sflag:$0x3], $0x80, s31, s14, $0xb8;
	[tilespmem:$0x1C400] =	vst v63  }
0xf0: {  	_ =	swait.ge [sflag:s12], $0x4000  }
0xf1: {  	[sflag:s12] =	ssyncset.done $0x0  }
0xf2: {  	[sflag:s12] =	ssyncadd.s32 $0xFFFFC000  }
0xf3: {  	_ =	swait.ge [sflag:s19], $0x4000  }
0xf4: {  	[sflag:s19] =	ssyncset.done $0x0  }
0xf5: {  	[sflag:s19] =	ssyncadd.s32 $0xFFFFC000  }
0xf6: {  	[spmem:s2] =	stream.indirect.scatter.add.f32 [tilespmem:s16], [sflag:$0x3], $0x80, s1, s14, $0xb8;
	[tilespmem:$0x1C400] =	vst v63  }
0xf7: {  	_ =	swait.ge [sflag:s12], $0x4000  }
0xf8: {  	[sflag:s12] =	ssyncset.done $0x0  }
0xf9: {  	[sflag:s12] =	ssyncadd.s32 $0xFFFFC000  }
0xfa: {  	[bflag:$0x0] =	sbarrier.arrive $0xFFFF  }
0xfb: {  	s7 =	rddreg [dreg:$0x4]  }
0xfc: {  	s8 =	rddreg [dreg:$0x7]  }
0xfd: {  	s6 =	rddreg [dreg:$0x8]  }
0xfe: {  	[hbm:s7], [sflag:s8] =	dma.local [spmem:s6], $0x2780  }
0xff: {  	_ =	swait.ge [sflag:s12], $0x2780  }
0x100: {  	s0 =	sadd.s32 $0x1, s0;
	s11 =	rddreg [dreg:$0x5]  }
0x101: {  	p0 =	sne.s32 s0, s11  }
.Ltmp1:
0x102: {  	_ = 	snop;
	(pc) =	sbr.rel @p0 .LBB2_1-.Ltmp1, $3  }
0x103: {  	_ =	sdelay $0x1  }
0x104: {  	[sflag:s12] =	ssyncset.done $0x0  }
0x105: {  	[sflag:s12] =	ssyncadd.s32 $0xFFFFD880  }
0x106: {  	_ =	sfence.sel $0x180000  }
0x107: {  	[bflag:$0x0] =	sbarrier.arrive $0xFFFF  }
0x108: {  	_ =	strace $0x90000047  }
0x109: {  	s0 =	stileid.u32;
	[bflag:$0x2] =	sbarrier.arrive $0xFFFF  }
0x10a: {  	p0 =	sne.s32 s0, $0x0;
	s0 =	rddreg [dreg:$0x3]  }
0x10b: {  	s0 =	sadd.s32 @!p0 $0x100000, s0  }
0x10c: {  	[sflag:s0] =	ssyncadd.tile.s32 @!p0 $0x1;
	_ =	shalt  }
.Lfunc_end2:
_tile_overlayer_lowered:
.L_overlay_start_2:
0x10d: {  	(tag) =	ssettag $0x2  }
0x10e: {  	s0 =	rddreg [dreg:$0x0];
	s2 =	stileid.u32  }
0x10f: {  	s1 =	rddreg [dreg:$0x1];
	p0 =	sne.s32 s2, $0x0  }
0x110: {  	s3 =	rddreg [dreg:$0x2];
	[bflag:$0x3] =	sbarrier.arrive $0xFFFF;
	s2 =	simm.s32 @!p0 $0x1C03  }
0x111: {  	[timem:s3], [sflag:s2] =	dma.local @!p0 [hbm:s0], s1  }
0x112: {  	s0 =	simm.s32 @!p0 $0x3  }
0x113: {  	_ =	swait.ge @!p0 [sflag:s0], s1  }
0x114: {  	s1 =	ssub.s32 @!p0 $0x0, s1;
	[sflag:s0] =	ssyncset.done @!p0 $0x0  }
0x115: {  	[sflag:s0] =	ssyncadd.s32 @!p0 s1  }
0x116: {  	[bflag:$0x3] =	sbarrier.arrive $0xFFFF  }
0x117: {  	_ =	shalt  }

</sc_bundles>
